<compile_context>
chip_gen: v7x
topology: tpu7x:2x2x1
jax: 0.10.2.dev20260603
libtpu: 0.0.44.dev20260713+nightly
codegen_flags: <defaults>
</compile_context>

<pallas_src>
import functools

import jax
import jax.numpy as jnp
from jax import lax
from jax.experimental import pallas as pl
from jax.experimental.pallas import tpu as pltpu
from jax.experimental.pallas import tpu_sc as plsc

N = 10000
E = 320000
H = 128
OUT = 64

NC = 2
NS = 16
NW = NC * NS
EDGES_PER_W = E // NW
CHUNK = 125
NCHUNK = EDGES_PER_W // CHUNK
ROWS_A = 624
ROWS_TAIL = N - NS * ROWS_A

_mesh = plsc.VectorSubcoreMesh(core_axis_name="c", subcore_axis_name="s")


HALF = NCHUNK // 2
NPAIR = HALF // 2


def _zero_rows(src_hbm, dst_sh, s):
    r0 = s * ROWS_A
    tail0 = NS * ROWS_A
    pltpu.sync_copy(src_hbm.at[pl.ds(r0, ROWS_A)], dst_sh.at[pl.ds(r0, ROWS_A)])

    @pl.when(s == NS - 1)
    def _():
        pltpu.sync_copy(src_hbm.at[pl.ds(tail0, ROWS_TAIL)],
                        dst_sh.at[pl.ds(tail0, ROWS_TAIL)])


def _writeback_rows(src_sh, dst_hbm, c, s):
    r0 = s * ROWS_A
    tail0 = NS * ROWS_A
    pltpu.sync_copy(src_sh.at[pl.ds(r0, ROWS_A)],
                    dst_hbm.at[c, pl.ds(r0, ROWS_A)])

    @pl.when(s == NS - 1)
    def _():
        pltpu.sync_copy(src_sh.at[pl.ds(tail0, ROWS_TAIL)],
                        dst_hbm.at[c, pl.ds(tail0, ROWS_TAIL)])


def _segsum_body(with_deg, *refs):
    if with_deg:
        (a_hbm, srcr, dstr, zrow, ones, out_hbm, deg_hbm,
         src_v, dst_v, rows0, rows1, agg_sh, sem0, sem1) = refs
    else:
        (a_hbm, srcr, dstr, zrow, out_hbm,
         src_v, dst_v, rows0, rows1, agg_sh, sem0, sem1) = refs

    c = lax.axis_index("c")
    s = lax.axis_index("s")
    wid = s * NC + c

    for half in range(2):
        h0 = half * HALF
        pltpu.sync_copy(srcr.at[wid, pl.ds(h0, HALF)], src_v)
        pltpu.sync_copy(dstr.at[wid, pl.ds(h0, HALF)], dst_v)
        pltpu.async_copy(a_hbm.at[src_v.at[0]], rows0, sem0)

        if half == 0:
            _zero_rows(zrow, agg_sh, s)
            plsc.subcore_barrier()

        def pair(p, carry):
            j = p * 2
            pltpu.async_copy(a_hbm.at[src_v.at[j + 1]], rows1, sem1)
            pltpu.make_async_copy(a_hbm.at[src_v.at[j]], rows0, sem0).wait()
            pltpu.sync_copy(rows0, agg_sh.at[dst_v.at[j]], add=True)

            @pl.when(p < NPAIR - 1)
            def _():
                pltpu.async_copy(a_hbm.at[src_v.at[j + 2]], rows0, sem0)

            pltpu.make_async_copy(a_hbm.at[src_v.at[j + 1]], rows1, sem1).wait()
            pltpu.sync_copy(rows1, agg_sh.at[dst_v.at[j + 1]], add=True)
            return carry
        lax.fori_loop(0, NPAIR, pair, 0)

    plsc.subcore_barrier()
    _writeback_rows(agg_sh, out_hbm, c, s)

    if with_deg:
        plsc.subcore_barrier()
        _zero_rows(zrow, agg_sh, s)
        pltpu.sync_copy(ones, rows0)
        plsc.subcore_barrier()

        for half in range(2):
            h0 = half * HALF
            pltpu.sync_copy(dstr.at[wid, pl.ds(h0, HALF)], dst_v)

            def dfire(j, carry):
                pltpu.async_copy(rows0, agg_sh.at[dst_v.at[j]], sem0, add=True)
                return carry
            lax.fori_loop(0, HALF, dfire, 0)

            def ddrain(j, carry):
                pltpu.make_async_copy(rows0, agg_sh.at[dst_v.at[j]],
                                      sem0).wait()
                return carry
            lax.fori_loop(0, HALF, ddrain, 0)

        plsc.subcore_barrier()
        _writeback_rows(agg_sh, deg_hbm, c, s)


_seg_scratch = [
    pltpu.VMEM((HALF, CHUNK), jnp.int32),
    pltpu.VMEM((HALF, CHUNK), jnp.int32),
    pltpu.VMEM((CHUNK, H), jnp.float32),
    pltpu.VMEM((CHUNK, H), jnp.float32),
    pltpu.VMEM_SHARED((N, H), jnp.float32),
    pltpu.SemaphoreType.DMA,
    pltpu.SemaphoreType.DMA,
]

_segsum_deg = pl.kernel(
    functools.partial(_segsum_body, True),
    out_type=(jax.ShapeDtypeStruct((NC, N, H), jnp.float32),
              jax.ShapeDtypeStruct((NC, N, H), jnp.float32)),
    mesh=_mesh,
    scratch_types=_seg_scratch,
)

_segsum = pl.kernel(
    functools.partial(_segsum_body, False),
    out_type=jax.ShapeDtypeStruct((NC, N, H), jnp.float32),
    mesh=_mesh,
    scratch_types=_seg_scratch,
)



BLK = 1000


def _dotT(x, w):
    return lax.dot_general(x, w, (((1,), (1,)), ((), ())),
                           preferred_element_type=jnp.float32)


def _combine2_body(sa_ref, sb_ref, da_ref, db_ref, x_ref, wl_ref, wr_ref,
                   bl_ref, h_ref):
    deg = jnp.maximum(da_ref[...][:, 0:1] + db_ref[...][:, 0:1], 1.0)
    mean = (sa_ref[...] + sb_ref[...]) / deg
    h_ref[...] = jnp.maximum(
        _dotT(mean, wl_ref[...]) + bl_ref[...] + _dotT(x_ref[...], wr_ref[...]),
        0.0)


def _combine2(sa, sb, da, db, x, wl, wr, bl):
    return pl.pallas_call(
        _combine2_body,
        grid=(N // BLK,),
        in_specs=[
            pl.BlockSpec((BLK, H), lambda i: (i, 0)),
            pl.BlockSpec((BLK, H), lambda i: (i, 0)),
            pl.BlockSpec((BLK, H), lambda i: (i, 0)),
            pl.BlockSpec((BLK, H), lambda i: (i, 0)),
            pl.BlockSpec((BLK, H), lambda i: (i, 0)),
            pl.BlockSpec((H, H), lambda i: (0, 0)),
            pl.BlockSpec((H, H), lambda i: (0, 0)),
            pl.BlockSpec((1, H), lambda i: (0, 0)),
        ],
        out_specs=pl.BlockSpec((BLK, H), lambda i: (i, 0)),
        out_shape=jax.ShapeDtypeStruct((N, H), jnp.float32),
    )(sa, sb, da, db, x, wl, wr, bl.reshape(1, H))


def _final_body(sa_ref, sb_ref, da_ref, db_ref, h_ref, wl_ref, wr_ref,
                bl_ref, wc_ref, bc_ref, o_ref):
    deg = jnp.maximum(da_ref[...][:, 0:1] + db_ref[...][:, 0:1], 1.0)
    mean = (sa_ref[...] + sb_ref[...]) / deg
    z = _dotT(mean, wl_ref[...]) + bl_ref[...] + _dotT(h_ref[...], wr_ref[...])
    o_ref[...] = _dotT(z, wc_ref[...]) + bc_ref[...]


def _final(sa, sb, da, db, h, wl, wr, bl, wc, bc):
    return pl.pallas_call(
        _final_body,
        grid=(N // BLK,),
        in_specs=[
            pl.BlockSpec((BLK, H), lambda i: (i, 0)),
            pl.BlockSpec((BLK, H), lambda i: (i, 0)),
            pl.BlockSpec((BLK, H), lambda i: (i, 0)),
            pl.BlockSpec((BLK, H), lambda i: (i, 0)),
            pl.BlockSpec((BLK, H), lambda i: (i, 0)),
            pl.BlockSpec((H, H), lambda i: (0, 0)),
            pl.BlockSpec((H, H), lambda i: (0, 0)),
            pl.BlockSpec((1, H), lambda i: (0, 0)),
            pl.BlockSpec((OUT, H), lambda i: (0, 0)),
            pl.BlockSpec((1, OUT), lambda i: (0, 0)),
        ],
        out_specs=pl.BlockSpec((BLK, OUT), lambda i: (i, 0)),
        out_shape=jax.ShapeDtypeStruct((N, OUT), jnp.float32),
    )(sa, sb, da, db, h, wl, wr, bl.reshape(1, H), wc, bc.reshape(1, OUT))


def kernel(x, edge_index, W1l, b1, W1r, W2l, b2, W2r, Wc, bc):
    srcr = edge_index[0].reshape(NW, NCHUNK, CHUNK)
    dstr = edge_index[1].reshape(NW, NCHUNK, CHUNK)
    zrow = jnp.zeros((N, H), jnp.float32)
    ones = jnp.ones((CHUNK, H), jnp.float32)

    s1p, degp = _segsum_deg(x, srcr, dstr, zrow, ones)
    h = _combine2(s1p[0], s1p[1], degp[0], degp[1], x, W1l, W1r, b1)
    s2p = _segsum(h, srcr, dstr, zrow)
    return _final(s2p[0], s2p[1], degp[0], degp[1], h, W2l, W2r, b2, Wc, bc)

# --- scband reference (transcript-rebuilt; emitter-appended) ---
"""Pipeline reference for scband-graph-smote-37958920962738 (READ-ONLY COPY).

The authoritative reference and input builder live on the scoring server;
editing this copy changes nothing except your own understanding.
"""

import jax, jax.numpy as jnp
import numpy as np

N = 10000
E = 320000
IN = 128
H = 128
OUT = 64


def sage_conv(x, edge_index, W_l, b_l, W_r):
    # PyG SAGEConv: mean-aggregate neighbor features, then lin_l(agg) + lin_r(x)
    src = edge_index[0]
    dst = edge_index[1]
    msg = jnp.take(x, src, axis=0)
    agg = jax.ops.segment_sum(msg, dst, num_segments=N)
    deg = jax.ops.segment_sum(jnp.ones((E, 1), dtype=x.dtype), dst, num_segments=N)
    mean = agg / jnp.maximum(deg, 1.0)
    return mean @ W_l.T + b_l + x @ W_r.T


def setup_inputs(seed: int = 0) -> dict:
    key = jax.random.key(seed)
    ks = jax.random.split(key, 10)
    x = jax.random.normal(ks[0], (N, IN), dtype=jnp.float32)
    edge_index = jax.random.randint(ks[1], (2, E), 0, N, dtype=jnp.int32)
    s_in = 1.0 / np.sqrt(IN)
    s_h = 1.0 / np.sqrt(H)
    W1l = jax.random.uniform(ks[2], (H, IN), jnp.float32, -s_in, s_in)
    b1 = jax.random.uniform(ks[3], (H,), jnp.float32, -s_in, s_in)
    W1r = jax.random.uniform(ks[4], (H, IN), jnp.float32, -s_in, s_in)
    W2l = jax.random.uniform(ks[5], (H, H), jnp.float32, -s_h, s_h)
    b2 = jax.random.uniform(ks[6], (H,), jnp.float32, -s_h, s_h)
    W2r = jax.random.uniform(ks[7], (H, H), jnp.float32, -s_h, s_h)
    Wc = jax.random.uniform(ks[8], (OUT, H), jnp.float32, -s_h, s_h)
    bc = jax.random.uniform(ks[9], (OUT,), jnp.float32, -s_h, s_h)
    return {"x": x, "edge_index": edge_index, "W1l": W1l, "b1": b1, "W1r": W1r,
            "W2l": W2l, "b2": b2, "W2r": W2r, "Wc": Wc, "bc": bc}


def reference(x, edge_index, W1l, b1, W1r, W2l, b2, W2r, Wc, bc):
    # encode: conv1 -> relu -> dropout(eval: identity) -> conv2
    h = jax.nn.relu(sage_conv(x, edge_index, W1l, b1, W1r))
    z = sage_conv(h, edge_index, W2l, b2, W2r)
    # classifier
    return z @ Wc.T + bc

if __name__ == "__main__":
    import jax
    _d = setup_inputs()
    print(jax.jit(kernel)(*tuple(_d.values())))

</pallas_src>

<mosaic_0001>
#map = affine_map<(d0, d1) -> (0, 0)>
#map1 = affine_map<(d0, d1) -> (0, 0, 0)>
module attributes {stable_mosaic.version = 14 : i64} {
  func.func @_segsum_body(%arg0: i32, %arg1: i32, %arg2: memref<10000x128xf32, #tpu.memory_space<hbm>>, %arg3: memref<32x80x125xi32, #tpu.memory_space<hbm>>, %arg4: memref<32x80x125xi32, #tpu.memory_space<hbm>>, %arg5: memref<10000x128xf32, #tpu.memory_space<hbm>>, %arg6: memref<125x128xf32, #tpu.memory_space<hbm>>, %arg7: memref<2x10000x128xf32, #tpu.memory_space<hbm>>, %arg8: memref<2x10000x128xf32, #tpu.memory_space<hbm>>, %arg9: memref<40x125xi32, #tpu.memory_space<vmem>>, %arg10: memref<40x125xi32, #tpu.memory_space<vmem>>, %arg11: memref<125x128xf32, #tpu.memory_space<vmem>>, %arg12: memref<125x128xf32, #tpu.memory_space<vmem>>, %arg13: memref<10000x128xf32, #tpu.memory_space<vmem_shared>>, %arg14: memref<!tpu.dma_semaphore, #tpu.memory_space<semaphore_mem>>, %arg15: memref<!tpu.dma_semaphore, #tpu.memory_space<semaphore_mem>>) attributes {dimension_semantics = [#tpu.dimension_semantics<core_parallel>, #tpu.dimension_semantics<subcore_parallel>], iteration_bounds = array<i64: 2, 16>, scalar_prefetch = 0 : i64, scratch_operands = 7 : i64, tpu.core_type = #tpu.core_type<sc_vector_subcore>, window_params = [{transform_indices = #map}, {transform_indices = #map1}, {transform_indices = #map1}, {transform_indices = #map}, {transform_indices = #map}, {transform_indices = #map1}, {transform_indices = #map1}]} {
    %mul3A = arith.constant 2 : i32
    %mul3A_0 = arith.muli %arg1, %mul3A : i32
    %add3A = arith.addi %mul3A_0, %arg0 : i32
    "tpu.region"() ({
      %run_scoped3A = tpu.sem_alloc : memref<!tpu.dma_semaphore, #tpu.memory_space<semaphore_mem>>
      %dma_start3A_78 = arith.constant 0 : i32
      %dma_start3A_79 = arith.constant 0 : i32
      %dma_start3A_80 = tpu.memref_slice %arg3[%add3A, %dma_start3A_78, %dma_start3A_79] : memref<32x80x125xi32, #tpu.memory_space<hbm>> -> memref<1x40x125xi32, #tpu.memory_space<hbm>>
      %dma_start3A_81 = tpu.memref_squeeze %dma_start3A_80 : memref<1x40x125xi32, #tpu.memory_space<hbm>> -> memref<40x125xi32, #tpu.memory_space<hbm>>
      %dma_start3A_82 = arith.constant 0 : i32
      %dma_start3A_83 = arith.constant 0 : i32
      %dma_start3A_84 = tpu.memref_slice %arg3[%add3A, %dma_start3A_82, %dma_start3A_83] : memref<32x80x125xi32, #tpu.memory_space<hbm>> -> memref<1x40x125xi32, #tpu.memory_space<hbm>>
      %dma_start3A_85 = tpu.memref_squeeze %dma_start3A_84 : memref<1x40x125xi32, #tpu.memory_space<hbm>> -> memref<40x125xi32, #tpu.memory_space<hbm>>
      tpu.enqueue_dma source(%dma_start3A_85 : memref<40x125xi32, #tpu.memory_space<hbm>>) target(%arg9 : memref<40x125xi32, #tpu.memory_space<vmem>>) target_semaphore(%run_scoped3A : memref<!tpu.dma_semaphore, #tpu.memory_space<semaphore_mem>>)
      %dma_wait3A = arith.constant 0 : i32
      %dma_wait3A_86 = arith.constant 0 : i32
      %dma_wait3A_87 = tpu.memref_slice %arg3[%add3A, %dma_wait3A, %dma_wait3A_86] : memref<32x80x125xi32, #tpu.memory_space<hbm>> -> memref<1x40x125xi32, #tpu.memory_space<hbm>>
      %dma_wait3A_88 = tpu.memref_squeeze %dma_wait3A_87 : memref<1x40x125xi32, #tpu.memory_space<hbm>> -> memref<40x125xi32, #tpu.memory_space<hbm>>
      %dma_wait3A_89 = arith.constant 0 : i32
      %dma_wait3A_90 = arith.constant 0 : i32
      %dma_wait3A_91 = tpu.memref_slice %arg3[%add3A, %dma_wait3A_89, %dma_wait3A_90] : memref<32x80x125xi32, #tpu.memory_space<hbm>> -> memref<1x40x125xi32, #tpu.memory_space<hbm>>
      %dma_wait3A_92 = tpu.memref_squeeze %dma_wait3A_91 : memref<1x40x125xi32, #tpu.memory_space<hbm>> -> memref<40x125xi32, #tpu.memory_space<hbm>>
      tpu.wait_dma2 semaphore(%run_scoped3A : memref<!tpu.dma_semaphore, #tpu.memory_space<semaphore_mem>>) src(%dma_wait3A_92 : memref<40x125xi32, #tpu.memory_space<hbm>>) dst(%arg9 : memref<40x125xi32, #tpu.memory_space<vmem>>)
      tpu.yield
    }) : () -> ()
    "tpu.region"() ({
      %run_scoped3A = tpu.sem_alloc : memref<!tpu.dma_semaphore, #tpu.memory_space<semaphore_mem>>
      %dma_start3A_78 = arith.constant 0 : i32
      %dma_start3A_79 = arith.constant 0 : i32
      %dma_start3A_80 = tpu.memref_slice %arg4[%add3A, %dma_start3A_78, %dma_start3A_79] : memref<32x80x125xi32, #tpu.memory_space<hbm>> -> memref<1x40x125xi32, #tpu.memory_space<hbm>>
      %dma_start3A_81 = tpu.memref_squeeze %dma_start3A_80 : memref<1x40x125xi32, #tpu.memory_space<hbm>> -> memref<40x125xi32, #tpu.memory_space<hbm>>
      %dma_start3A_82 = arith.constant 0 : i32
      %dma_start3A_83 = arith.constant 0 : i32
      %dma_start3A_84 = tpu.memref_slice %arg4[%add3A, %dma_start3A_82, %dma_start3A_83] : memref<32x80x125xi32, #tpu.memory_space<hbm>> -> memref<1x40x125xi32, #tpu.memory_space<hbm>>
      %dma_start3A_85 = tpu.memref_squeeze %dma_start3A_84 : memref<1x40x125xi32, #tpu.memory_space<hbm>> -> memref<40x125xi32, #tpu.memory_space<hbm>>
      tpu.enqueue_dma source(%dma_start3A_85 : memref<40x125xi32, #tpu.memory_space<hbm>>) target(%arg10 : memref<40x125xi32, #tpu.memory_space<vmem>>) target_semaphore(%run_scoped3A : memref<!tpu.dma_semaphore, #tpu.memory_space<semaphore_mem>>)
      %dma_wait3A = arith.constant 0 : i32
      %dma_wait3A_86 = arith.constant 0 : i32
      %dma_wait3A_87 = tpu.memref_slice %arg4[%add3A, %dma_wait3A, %dma_wait3A_86] : memref<32x80x125xi32, #tpu.memory_space<hbm>> -> memref<1x40x125xi32, #tpu.memory_space<hbm>>
      %dma_wait3A_88 = tpu.memref_squeeze %dma_wait3A_87 : memref<1x40x125xi32, #tpu.memory_space<hbm>> -> memref<40x125xi32, #tpu.memory_space<hbm>>
      %dma_wait3A_89 = arith.constant 0 : i32
      %dma_wait3A_90 = arith.constant 0 : i32
      %dma_wait3A_91 = tpu.memref_slice %arg4[%add3A, %dma_wait3A_89, %dma_wait3A_90] : memref<32x80x125xi32, #tpu.memory_space<hbm>> -> memref<1x40x125xi32, #tpu.memory_space<hbm>>
      %dma_wait3A_92 = tpu.memref_squeeze %dma_wait3A_91 : memref<1x40x125xi32, #tpu.memory_space<hbm>> -> memref<40x125xi32, #tpu.memory_space<hbm>>
      tpu.wait_dma2 semaphore(%run_scoped3A : memref<!tpu.dma_semaphore, #tpu.memory_space<semaphore_mem>>) src(%dma_wait3A_92 : memref<40x125xi32, #tpu.memory_space<hbm>>) dst(%arg10 : memref<40x125xi32, #tpu.memory_space<vmem>>)
      tpu.yield
    }) : () -> ()
    %dma_start3A = arith.constant 0 : i32
    %dma_start3A_1 = arith.constant 0 : i32
    %dma_start3A_2 = tpu.memref_slice %arg9[%dma_start3A, %dma_start3A_1] : memref<40x125xi32, #tpu.memory_space<vmem>> -> memref<1x125xi32, #tpu.memory_space<vmem>>
    %dma_start3A_3 = tpu.memref_squeeze %dma_start3A_2 : memref<1x125xi32, #tpu.memory_space<vmem>> -> memref<125xi32, #tpu.memory_space<vmem>>
    %dma_start3A_4 = arith.constant 0 : i32
    %dma_start3A_5 = arith.constant 0 : i32
    %dma_start3A_6 = tpu.memref_slice %arg2[%dma_start3A_4, %dma_start3A_5] : memref<10000x128xf32, #tpu.memory_space<hbm>> -> memref<10000x128xf32, #tpu.memory_space<hbm>>
    tpu.enqueue_indirect_dma source(%dma_start3A_6 : memref<10000x128xf32, #tpu.memory_space<hbm>>) target(%arg11 : memref<125x128xf32, #tpu.memory_space<vmem>>) offsets(%dma_start3A_3 : memref<125xi32, #tpu.memory_space<vmem>>) semaphore(%arg14 : memref<!tpu.dma_semaphore, #tpu.memory_space<semaphore_mem>>)
    %mul3A_7 = arith.constant 624 : i32
    %mul3A_8 = arith.muli %arg1, %mul3A_7 : i32
    "tpu.region"() ({
      %run_scoped3A = tpu.sem_alloc : memref<!tpu.dma_semaphore, #tpu.memory_space<semaphore_mem>>
      %dma_start3A_78 = arith.constant 0 : i32
      %dma_start3A_79 = tpu.memref_slice %arg13[%mul3A_8, %dma_start3A_78] : memref<10000x128xf32, #tpu.memory_space<vmem_shared>> -> memref<624x128xf32, #tpu.memory_space<vmem_shared>>
      %dma_start3A_80 = arith.constant 0 : i32
      %dma_start3A_81 = tpu.memref_slice %arg5[%mul3A_8, %dma_start3A_80] : memref<10000x128xf32, #tpu.memory_space<hbm>> -> memref<624x128xf32, #tpu.memory_space<hbm>>
      tpu.enqueue_dma source(%dma_start3A_81 : memref<624x128xf32, #tpu.memory_space<hbm>>) target(%dma_start3A_79 : memref<624x128xf32, #tpu.memory_space<vmem_shared>>) target_semaphore(%run_scoped3A : memref<!tpu.dma_semaphore, #tpu.memory_space<semaphore_mem>>)
      %dma_wait3A = arith.constant 0 : i32
      %dma_wait3A_82 = tpu.memref_slice %arg13[%mul3A_8, %dma_wait3A] : memref<10000x128xf32, #tpu.memory_space<vmem_shared>> -> memref<624x128xf32, #tpu.memory_space<vmem_shared>>
      %dma_wait3A_83 = arith.constant 0 : i32
      %dma_wait3A_84 = tpu.memref_slice %arg5[%mul3A_8, %dma_wait3A_83] : memref<10000x128xf32, #tpu.memory_space<hbm>> -> memref<624x128xf32, #tpu.memory_space<hbm>>
      tpu.wait_dma2 semaphore(%run_scoped3A : memref<!tpu.dma_semaphore, #tpu.memory_space<semaphore_mem>>) src(%dma_wait3A_84 : memref<624x128xf32, #tpu.memory_space<hbm>>) dst(%dma_wait3A_82 : memref<624x128xf32, #tpu.memory_space<vmem_shared>>)
      tpu.yield
    }) : () -> ()
    %eq3A = arith.constant 15 : i32
    %eq3A_9 = arith.cmpi eq, %arg1, %eq3A : i32
    %convert_element_type3A = arith.extui %eq3A_9 : i1 to i32
    %cond3A = arith.constant 0 : i32
    %cond3A_10 = arith.cmpi ne, %convert_element_type3A, %cond3A : i32
    scf.if %cond3A_10 {
      "tpu.region"() ({
        %run_scoped3A = tpu.sem_alloc : memref<!tpu.dma_semaphore, #tpu.memory_space<semaphore_mem>>
        %dma_start3A_78 = arith.constant 9984 : i32
        %dma_start3A_79 = arith.constant 0 : i32
        %dma_start3A_80 = tpu.memref_slice %arg13[%dma_start3A_78, %dma_start3A_79] : memref<10000x128xf32, #tpu.memory_space<vmem_shared>> -> memref<16x128xf32, #tpu.memory_space<vmem_shared>>
        %dma_start3A_81 = arith.constant 9984 : i32
        %dma_start3A_82 = arith.constant 0 : i32
        %dma_start3A_83 = tpu.memref_slice %arg5[%dma_start3A_81, %dma_start3A_82] : memref<10000x128xf32, #tpu.memory_space<hbm>> -> memref<16x128xf32, #tpu.memory_space<hbm>>
        tpu.enqueue_dma source(%dma_start3A_83 : memref<16x128xf32, #tpu.memory_space<hbm>>) target(%dma_start3A_80 : memref<16x128xf32, #tpu.memory_space<vmem_shared>>) target_semaphore(%run_scoped3A : memref<!tpu.dma_semaphore, #tpu.memory_space<semaphore_mem>>)
        %dma_wait3A = arith.constant 9984 : i32
        %dma_wait3A_84 = arith.constant 0 : i32
        %dma_wait3A_85 = tpu.memref_slice %arg13[%dma_wait3A, %dma_wait3A_84] : memref<10000x128xf32, #tpu.memory_space<vmem_shared>> -> memref<16x128xf32, #tpu.memory_space<vmem_shared>>
        %dma_wait3A_86 = arith.constant 9984 : i32
        %dma_wait3A_87 = arith.constant 0 : i32
        %dma_wait3A_88 = tpu.memref_slice %arg5[%dma_wait3A_86, %dma_wait3A_87] : memref<10000x128xf32, #tpu.memory_space<hbm>> -> memref<16x128xf32, #tpu.memory_space<hbm>>
        tpu.wait_dma2 semaphore(%run_scoped3A : memref<!tpu.dma_semaphore, #tpu.memory_space<semaphore_mem>>) src(%dma_wait3A_88 : memref<16x128xf32, #tpu.memory_space<hbm>>) dst(%dma_wait3A_85 : memref<16x128xf32, #tpu.memory_space<vmem_shared>>)
        tpu.yield
      }) : () -> ()
    } else {
    }
    %barrier3A = arith.constant 0 : index
    tpu.barrier barrier_id(%barrier3A)
    %scan3A = arith.constant 0 : i32
    %scan3A_11 = arith.constant 0 : i32
    %scan3A_12 = arith.constant 20 : i32
    %scan3A_13 = arith.addi %scan3A_11, %scan3A_12 : i32
    %scan3A_14 = arith.constant 1 : i32
    scf.for %scan3A_78 = %scan3A_11 to %scan3A_13 step %scan3A_14  : i32 {
      %mul3A_79 = arith.constant 2 : i32
      %mul3A_80 = arith.muli %scan3A_78, %mul3A_79 : i32
      %add3A_81 = arith.constant 1 : i32
      %add3A_82 = arith.addi %mul3A_80, %add3A_81 : i32
      %dma_start3A_83 = arith.constant 0 : i32
      %dma_start3A_84 = tpu.memref_slice %arg9[%add3A_82, %dma_start3A_83] : memref<40x125xi32, #tpu.memory_space<vmem>> -> memref<1x125xi32, #tpu.memory_space<vmem>>
      %dma_start3A_85 = tpu.memref_squeeze %dma_start3A_84 : memref<1x125xi32, #tpu.memory_space<vmem>> -> memref<125xi32, #tpu.memory_space<vmem>>
      %dma_start3A_86 = arith.constant 0 : i32
      %dma_start3A_87 = arith.constant 0 : i32
      %dma_start3A_88 = tpu.memref_slice %arg2[%dma_start3A_86, %dma_start3A_87] : memref<10000x128xf32, #tpu.memory_space<hbm>> -> memref<10000x128xf32, #tpu.memory_space<hbm>>
      tpu.enqueue_indirect_dma source(%dma_start3A_88 : memref<10000x128xf32, #tpu.memory_space<hbm>>) target(%arg12 : memref<125x128xf32, #tpu.memory_space<vmem>>) offsets(%dma_start3A_85 : memref<125xi32, #tpu.memory_space<vmem>>) semaphore(%arg15 : memref<!tpu.dma_semaphore, #tpu.memory_space<semaphore_mem>>)
      %dma_wait3A = arith.constant 0 : i32
      %dma_wait3A_89 = tpu.memref_slice %arg9[%mul3A_80, %dma_wait3A] : memref<40x125xi32, #tpu.memory_space<vmem>> -> memref<1x125xi32, #tpu.memory_space<vmem>>
      %dma_wait3A_90 = tpu.memref_squeeze %dma_wait3A_89 : memref<1x125xi32, #tpu.memory_space<vmem>> -> memref<125xi32, #tpu.memory_space<vmem>>
      %dma_wait3A_91 = arith.constant 0 : i32
      %dma_wait3A_92 = arith.constant 0 : i32
      %dma_wait3A_93 = tpu.memref_slice %arg2[%dma_wait3A_91, %dma_wait3A_92] : memref<10000x128xf32, #tpu.memory_space<hbm>> -> memref<10000x128xf32, #tpu.memory_space<hbm>>
      tpu.wait_indirect_dma semaphore(%arg14 : memref<!tpu.dma_semaphore, #tpu.memory_space<semaphore_mem>>) src(%dma_wait3A_93 : memref<10000x128xf32, #tpu.memory_space<hbm>>) dst(%arg11 : memref<125x128xf32, #tpu.memory_space<vmem>>)
      "tpu.region"() ({
        %run_scoped3A = tpu.sem_alloc : memref<!tpu.dma_semaphore, #tpu.memory_space<semaphore_mem>>
        %dma_start3A_108 = arith.constant 0 : i32
        %dma_start3A_109 = tpu.memref_slice %arg10[%mul3A_80, %dma_start3A_108] : memref<40x125xi32, #tpu.memory_space<vmem>> -> memref<1x125xi32, #tpu.memory_space<vmem>>
        %dma_start3A_110 = tpu.memref_squeeze %dma_start3A_109 : memref<1x125xi32, #tpu.memory_space<vmem>> -> memref<125xi32, #tpu.memory_space<vmem>>
        %dma_start3A_111 = arith.constant 0 : i32
        %dma_start3A_112 = arith.constant 0 : i32
        %dma_start3A_113 = tpu.memref_slice %arg13[%dma_start3A_111, %dma_start3A_112] : memref<10000x128xf32, #tpu.memory_space<vmem_shared>> -> memref<10000x128xf32, #tpu.memory_space<vmem_shared>>
        tpu.enqueue_indirect_dma source(%arg11 : memref<125x128xf32, #tpu.memory_space<vmem>>) target(%dma_start3A_113 : memref<10000x128xf32, #tpu.memory_space<vmem_shared>>) offsets(%dma_start3A_110 : memref<125xi32, #tpu.memory_space<vmem>>) semaphore(%run_scoped3A : memref<!tpu.dma_semaphore, #tpu.memory_space<semaphore_mem>>) {add = true}
        %dma_wait3A_114 = arith.constant 0 : i32
        %dma_wait3A_115 = tpu.memref_slice %arg10[%mul3A_80, %dma_wait3A_114] : memref<40x125xi32, #tpu.memory_space<vmem>> -> memref<1x125xi32, #tpu.memory_space<vmem>>
        %dma_wait3A_116 = tpu.memref_squeeze %dma_wait3A_115 : memref<1x125xi32, #tpu.memory_space<vmem>> -> memref<125xi32, #tpu.memory_space<vmem>>
        %dma_wait3A_117 = arith.constant 0 : i32
        %dma_wait3A_118 = arith.constant 0 : i32
        %dma_wait3A_119 = tpu.memref_slice %arg13[%dma_wait3A_117, %dma_wait3A_118] : memref<10000x128xf32, #tpu.memory_space<vmem_shared>> -> memref<10000x128xf32, #tpu.memory_space<vmem_shared>>
        tpu.wait_indirect_dma semaphore(%run_scoped3A : memref<!tpu.dma_semaphore, #tpu.memory_space<semaphore_mem>>) src(%arg11 : memref<125x128xf32, #tpu.memory_space<vmem>>) dst(%dma_wait3A_119 : memref<10000x128xf32, #tpu.memory_space<vmem_shared>>)
        tpu.yield
      }) : () -> ()
      %lt3A = arith.constant 19 : i32
      %lt3A_94 = arith.cmpi slt, %scan3A_78, %lt3A : i32
      %convert_element_type3A_95 = arith.extui %lt3A_94 : i1 to i32
      %cond3A_96 = arith.constant 0 : i32
      %cond3A_97 = arith.cmpi ne, %convert_element_type3A_95, %cond3A_96 : i32
      scf.if %cond3A_97 {
        %add3A_108 = arith.constant 2 : i32
        %add3A_109 = arith.addi %mul3A_80, %add3A_108 : i32
        %dma_start3A_110 = arith.constant 0 : i32
        %dma_start3A_111 = tpu.memref_slice %arg9[%add3A_109, %dma_start3A_110] : memref<40x125xi32, #tpu.memory_space<vmem>> -> memref<1x125xi32, #tpu.memory_space<vmem>>
        %dma_start3A_112 = tpu.memref_squeeze %dma_start3A_111 : memref<1x125xi32, #tpu.memory_space<vmem>> -> memref<125xi32, #tpu.memory_space<vmem>>
        %dma_start3A_113 = arith.constant 0 : i32
        %dma_start3A_114 = arith.constant 0 : i32
        %dma_start3A_115 = tpu.memref_slice %arg2[%dma_start3A_113, %dma_start3A_114] : memref<10000x128xf32, #tpu.memory_space<hbm>> -> memref<10000x128xf32, #tpu.memory_space<hbm>>
        tpu.enqueue_indirect_dma source(%dma_start3A_115 : memref<10000x128xf32, #tpu.memory_space<hbm>>) target(%arg11 : memref<125x128xf32, #tpu.memory_space<vmem>>) offsets(%dma_start3A_112 : memref<125xi32, #tpu.memory_space<vmem>>) semaphore(%arg14 : memref<!tpu.dma_semaphore, #tpu.memory_space<semaphore_mem>>)
      } else {
      }
      %add3A_98 = arith.constant 1 : i32
      %add3A_99 = arith.addi %mul3A_80, %add3A_98 : i32
      %dma_wait3A_100 = arith.constant 0 : i32
      %dma_wait3A_101 = tpu.memref_slice %arg9[%add3A_99, %dma_wait3A_100] : memref<40x125xi32, #tpu.memory_space<vmem>> -> memref<1x125xi32, #tpu.memory_space<vmem>>
      %dma_wait3A_102 = tpu.memref_squeeze %dma_wait3A_101 : memref<1x125xi32, #tpu.memory_space<vmem>> -> memref<125xi32, #tpu.memory_space<vmem>>
      %dma_wait3A_103 = arith.constant 0 : i32
      %dma_wait3A_104 = arith.constant 0 : i32
      %dma_wait3A_105 = tpu.memref_slice %arg2[%dma_wait3A_103, %dma_wait3A_104] : memref<10000x128xf32, #tpu.memory_space<hbm>> -> memref<10000x128xf32, #tpu.memory_space<hbm>>
      tpu.wait_indirect_dma semaphore(%arg15 : memref<!tpu.dma_semaphore, #tpu.memory_space<semaphore_mem>>) src(%dma_wait3A_105 : memref<10000x128xf32, #tpu.memory_space<hbm>>) dst(%arg12 : memref<125x128xf32, #tpu.memory_space<vmem>>)
      %add3A_106 = arith.constant 1 : i32
      %add3A_107 = arith.addi %mul3A_80, %add3A_106 : i32
      "tpu.region"() ({
        %run_scoped3A = tpu.sem_alloc : memref<!tpu.dma_semaphore, #tpu.memory_space<semaphore_mem>>
        %dma_start3A_108 = arith.constant 0 : i32
        %dma_start3A_109 = tpu.memref_slice %arg10[%add3A_107, %dma_start3A_108] : memref<40x125xi32, #tpu.memory_space<vmem>> -> memref<1x125xi32, #tpu.memory_space<vmem>>
        %dma_start3A_110 = tpu.memref_squeeze %dma_start3A_109 : memref<1x125xi32, #tpu.memory_space<vmem>> -> memref<125xi32, #tpu.memory_space<vmem>>
        %dma_start3A_111 = arith.constant 0 : i32
        %dma_start3A_112 = arith.constant 0 : i32
        %dma_start3A_113 = tpu.memref_slice %arg13[%dma_start3A_111, %dma_start3A_112] : memref<10000x128xf32, #tpu.memory_space<vmem_shared>> -> memref<10000x128xf32, #tpu.memory_space<vmem_shared>>
        tpu.enqueue_indirect_dma source(%arg12 : memref<125x128xf32, #tpu.memory_space<vmem>>) target(%dma_start3A_113 : memref<10000x128xf32, #tpu.memory_space<vmem_shared>>) offsets(%dma_start3A_110 : memref<125xi32, #tpu.memory_space<vmem>>) semaphore(%run_scoped3A : memref<!tpu.dma_semaphore, #tpu.memory_space<semaphore_mem>>) {add = true}
        %dma_wait3A_114 = arith.constant 0 : i32
        %dma_wait3A_115 = tpu.memref_slice %arg10[%add3A_107, %dma_wait3A_114] : memref<40x125xi32, #tpu.memory_space<vmem>> -> memref<1x125xi32, #tpu.memory_space<vmem>>
        %dma_wait3A_116 = tpu.memref_squeeze %dma_wait3A_115 : memref<1x125xi32, #tpu.memory_space<vmem>> -> memref<125xi32, #tpu.memory_space<vmem>>
        %dma_wait3A_117 = arith.constant 0 : i32
        %dma_wait3A_118 = arith.constant 0 : i32
        %dma_wait3A_119 = tpu.memref_slice %arg13[%dma_wait3A_117, %dma_wait3A_118] : memref<10000x128xf32, #tpu.memory_space<vmem_shared>> -> memref<10000x128xf32, #tpu.memory_space<vmem_shared>>
        tpu.wait_indirect_dma semaphore(%run_scoped3A : memref<!tpu.dma_semaphore, #tpu.memory_space<semaphore_mem>>) src(%arg12 : memref<125x128xf32, #tpu.memory_space<vmem>>) dst(%dma_wait3A_119 : memref<10000x128xf32, #tpu.memory_space<vmem_shared>>)
        tpu.yield
      }) : () -> ()
    }
    %scan3A_15 = arith.constant 20 : i32
    "tpu.region"() ({
      %run_scoped3A = tpu.sem_alloc : memref<!tpu.dma_semaphore, #tpu.memory_space<semaphore_mem>>
      %dma_start3A_78 = arith.constant 40 : i32
      %dma_start3A_79 = arith.constant 0 : i32
      %dma_start3A_80 = tpu.memref_slice %arg3[%add3A, %dma_start3A_78, %dma_start3A_79] : memref<32x80x125xi32, #tpu.memory_space<hbm>> -> memref<1x40x125xi32, #tpu.memory_space<hbm>>
      %dma_start3A_81 = tpu.memref_squeeze %dma_start3A_80 : memref<1x40x125xi32, #tpu.memory_space<hbm>> -> memref<40x125xi32, #tpu.memory_space<hbm>>
      %dma_start3A_82 = arith.constant 40 : i32
      %dma_start3A_83 = arith.constant 0 : i32
      %dma_start3A_84 = tpu.memref_slice %arg3[%add3A, %dma_start3A_82, %dma_start3A_83] : memref<32x80x125xi32, #tpu.memory_space<hbm>> -> memref<1x40x125xi32, #tpu.memory_space<hbm>>
      %dma_start3A_85 = tpu.memref_squeeze %dma_start3A_84 : memref<1x40x125xi32, #tpu.memory_space<hbm>> -> memref<40x125xi32, #tpu.memory_space<hbm>>
      tpu.enqueue_dma source(%dma_start3A_85 : memref<40x125xi32, #tpu.memory_space<hbm>>) target(%arg9 : memref<40x125xi32, #tpu.memory_space<vmem>>) target_semaphore(%run_scoped3A : memref<!tpu.dma_semaphore, #tpu.memory_space<semaphore_mem>>)
      %dma_wait3A = arith.constant 40 : i32
      %dma_wait3A_86 = arith.constant 0 : i32
      %dma_wait3A_87 = tpu.memref_slice %arg3[%add3A, %dma_wait3A, %dma_wait3A_86] : memref<32x80x125xi32, #tpu.memory_space<hbm>> -> memref<1x40x125xi32, #tpu.memory_space<hbm>>
      %dma_wait3A_88 = tpu.memref_squeeze %dma_wait3A_87 : memref<1x40x125xi32, #tpu.memory_space<hbm>> -> memref<40x125xi32, #tpu.memory_space<hbm>>
      %dma_wait3A_89 = arith.constant 40 : i32
      %dma_wait3A_90 = arith.constant 0 : i32
      %dma_wait3A_91 = tpu.memref_slice %arg3[%add3A, %dma_wait3A_89, %dma_wait3A_90] : memref<32x80x125xi32, #tpu.memory_space<hbm>> -> memref<1x40x125xi32, #tpu.memory_space<hbm>>
      %dma_wait3A_92 = tpu.memref_squeeze %dma_wait3A_91 : memref<1x40x125xi32, #tpu.memory_space<hbm>> -> memref<40x125xi32, #tpu.memory_space<hbm>>
      tpu.wait_dma2 semaphore(%run_scoped3A : memref<!tpu.dma_semaphore, #tpu.memory_space<semaphore_mem>>) src(%dma_wait3A_92 : memref<40x125xi32, #tpu.memory_space<hbm>>) dst(%arg9 : memref<40x125xi32, #tpu.memory_space<vmem>>)
      tpu.yield
    }) : () -> ()
    "tpu.region"() ({
      %run_scoped3A = tpu.sem_alloc : memref<!tpu.dma_semaphore, #tpu.memory_space<semaphore_mem>>
      %dma_start3A_78 = arith.constant 40 : i32
      %dma_start3A_79 = arith.constant 0 : i32
      %dma_start3A_80 = tpu.memref_slice %arg4[%add3A, %dma_start3A_78, %dma_start3A_79] : memref<32x80x125xi32, #tpu.memory_space<hbm>> -> memref<1x40x125xi32, #tpu.memory_space<hbm>>
      %dma_start3A_81 = tpu.memref_squeeze %dma_start3A_80 : memref<1x40x125xi32, #tpu.memory_space<hbm>> -> memref<40x125xi32, #tpu.memory_space<hbm>>
      %dma_start3A_82 = arith.constant 40 : i32
      %dma_start3A_83 = arith.constant 0 : i32
      %dma_start3A_84 = tpu.memref_slice %arg4[%add3A, %dma_start3A_82, %dma_start3A_83] : memref<32x80x125xi32, #tpu.memory_space<hbm>> -> memref<1x40x125xi32, #tpu.memory_space<hbm>>
      %dma_start3A_85 = tpu.memref_squeeze %dma_start3A_84 : memref<1x40x125xi32, #tpu.memory_space<hbm>> -> memref<40x125xi32, #tpu.memory_space<hbm>>
      tpu.enqueue_dma source(%dma_start3A_85 : memref<40x125xi32, #tpu.memory_space<hbm>>) target(%arg10 : memref<40x125xi32, #tpu.memory_space<vmem>>) target_semaphore(%run_scoped3A : memref<!tpu.dma_semaphore, #tpu.memory_space<semaphore_mem>>)
      %dma_wait3A = arith.constant 40 : i32
      %dma_wait3A_86 = arith.constant 0 : i32
      %dma_wait3A_87 = tpu.memref_slice %arg4[%add3A, %dma_wait3A, %dma_wait3A_86] : memref<32x80x125xi32, #tpu.memory_space<hbm>> -> memref<1x40x125xi32, #tpu.memory_space<hbm>>
      %dma_wait3A_88 = tpu.memref_squeeze %dma_wait3A_87 : memref<1x40x125xi32, #tpu.memory_space<hbm>> -> memref<40x125xi32, #tpu.memory_space<hbm>>
      %dma_wait3A_89 = arith.constant 40 : i32
      %dma_wait3A_90 = arith.constant 0 : i32
      %dma_wait3A_91 = tpu.memref_slice %arg4[%add3A, %dma_wait3A_89, %dma_wait3A_90] : memref<32x80x125xi32, #tpu.memory_space<hbm>> -> memref<1x40x125xi32, #tpu.memory_space<hbm>>
      %dma_wait3A_92 = tpu.memref_squeeze %dma_wait3A_91 : memref<1x40x125xi32, #tpu.memory_space<hbm>> -> memref<40x125xi32, #tpu.memory_space<hbm>>
      tpu.wait_dma2 semaphore(%run_scoped3A : memref<!tpu.dma_semaphore, #tpu.memory_space<semaphore_mem>>) src(%dma_wait3A_92 : memref<40x125xi32, #tpu.memory_space<hbm>>) dst(%arg10 : memref<40x125xi32, #tpu.memory_space<vmem>>)
      tpu.yield
    }) : () -> ()
    %dma_start3A_16 = arith.constant 0 : i32
    %dma_start3A_17 = arith.constant 0 : i32
    %dma_start3A_18 = tpu.memref_slice %arg9[%dma_start3A_16, %dma_start3A_17] : memref<40x125xi32, #tpu.memory_space<vmem>> -> memref<1x125xi32, #tpu.memory_space<vmem>>
    %dma_start3A_19 = tpu.memref_squeeze %dma_start3A_18 : memref<1x125xi32, #tpu.memory_space<vmem>> -> memref<125xi32, #tpu.memory_space<vmem>>
    %dma_start3A_20 = arith.constant 0 : i32
    %dma_start3A_21 = arith.constant 0 : i32
    %dma_start3A_22 = tpu.memref_slice %arg2[%dma_start3A_20, %dma_start3A_21] : memref<10000x128xf32, #tpu.memory_space<hbm>> -> memref<10000x128xf32, #tpu.memory_space<hbm>>
    tpu.enqueue_indirect_dma source(%dma_start3A_22 : memref<10000x128xf32, #tpu.memory_space<hbm>>) target(%arg11 : memref<125x128xf32, #tpu.memory_space<vmem>>) offsets(%dma_start3A_19 : memref<125xi32, #tpu.memory_space<vmem>>) semaphore(%arg14 : memref<!tpu.dma_semaphore, #tpu.memory_space<semaphore_mem>>)
    %scan3A_23 = arith.constant 0 : i32
    %scan3A_24 = arith.constant 0 : i32
    %scan3A_25 = arith.constant 20 : i32
    %scan3A_26 = arith.addi %scan3A_24, %scan3A_25 : i32
    %scan3A_27 = arith.constant 1 : i32
    scf.for %scan3A_78 = %scan3A_24 to %scan3A_26 step %scan3A_27  : i32 {
      %mul3A_79 = arith.constant 2 : i32
      %mul3A_80 = arith.muli %scan3A_78, %mul3A_79 : i32
      %add3A_81 = arith.constant 1 : i32
      %add3A_82 = arith.addi %mul3A_80, %add3A_81 : i32
      %dma_start3A_83 = arith.constant 0 : i32
      %dma_start3A_84 = tpu.memref_slice %arg9[%add3A_82, %dma_start3A_83] : memref<40x125xi32, #tpu.memory_space<vmem>> -> memref<1x125xi32, #tpu.memory_space<vmem>>
      %dma_start3A_85 = tpu.memref_squeeze %dma_start3A_84 : memref<1x125xi32, #tpu.memory_space<vmem>> -> memref<125xi32, #tpu.memory_space<vmem>>
      %dma_start3A_86 = arith.constant 0 : i32
      %dma_start3A_87 = arith.constant 0 : i32
      %dma_start3A_88 = tpu.memref_slice %arg2[%dma_start3A_86, %dma_start3A_87] : memref<10000x128xf32, #tpu.memory_space<hbm>> -> memref<10000x128xf32, #tpu.memory_space<hbm>>
      tpu.enqueue_indirect_dma source(%dma_start3A_88 : memref<10000x128xf32, #tpu.memory_space<hbm>>) target(%arg12 : memref<125x128xf32, #tpu.memory_space<vmem>>) offsets(%dma_start3A_85 : memref<125xi32, #tpu.memory_space<vmem>>) semaphore(%arg15 : memref<!tpu.dma_semaphore, #tpu.memory_space<semaphore_mem>>)
      %dma_wait3A = arith.constant 0 : i32
      %dma_wait3A_89 = tpu.memref_slice %arg9[%mul3A_80, %dma_wait3A] : memref<40x125xi32, #tpu.memory_space<vmem>> -> memref<1x125xi32, #tpu.memory_space<vmem>>
      %dma_wait3A_90 = tpu.memref_squeeze %dma_wait3A_89 : memref<1x125xi32, #tpu.memory_space<vmem>> -> memref<125xi32, #tpu.memory_space<vmem>>
      %dma_wait3A_91 = arith.constant 0 : i32
      %dma_wait3A_92 = arith.constant 0 : i32
      %dma_wait3A_93 = tpu.memref_slice %arg2[%dma_wait3A_91, %dma_wait3A_92] : memref<10000x128xf32, #tpu.memory_space<hbm>> -> memref<10000x128xf32, #tpu.memory_space<hbm>>
      tpu.wait_indirect_dma semaphore(%arg14 : memref<!tpu.dma_semaphore, #tpu.memory_space<semaphore_mem>>) src(%dma_wait3A_93 : memref<10000x128xf32, #tpu.memory_space<hbm>>) dst(%arg11 : memref<125x128xf32, #tpu.memory_space<vmem>>)
      "tpu.region"() ({
        %run_scoped3A = tpu.sem_alloc : memref<!tpu.dma_semaphore, #tpu.memory_space<semaphore_mem>>
        %dma_start3A_108 = arith.constant 0 : i32
        %dma_start3A_109 = tpu.memref_slice %arg10[%mul3A_80, %dma_start3A_108] : memref<40x125xi32, #tpu.memory_space<vmem>> -> memref<1x125xi32, #tpu.memory_space<vmem>>
        %dma_start3A_110 = tpu.memref_squeeze %dma_start3A_109 : memref<1x125xi32, #tpu.memory_space<vmem>> -> memref<125xi32, #tpu.memory_space<vmem>>
        %dma_start3A_111 = arith.constant 0 : i32
        %dma_start3A_112 = arith.constant 0 : i32
        %dma_start3A_113 = tpu.memref_slice %arg13[%dma_start3A_111, %dma_start3A_112] : memref<10000x128xf32, #tpu.memory_space<vmem_shared>> -> memref<10000x128xf32, #tpu.memory_space<vmem_shared>>
        tpu.enqueue_indirect_dma source(%arg11 : memref<125x128xf32, #tpu.memory_space<vmem>>) target(%dma_start3A_113 : memref<10000x128xf32, #tpu.memory_space<vmem_shared>>) offsets(%dma_start3A_110 : memref<125xi32, #tpu.memory_space<vmem>>) semaphore(%run_scoped3A : memref<!tpu.dma_semaphore, #tpu.memory_space<semaphore_mem>>) {add = true}
        %dma_wait3A_114 = arith.constant 0 : i32
        %dma_wait3A_115 = tpu.memref_slice %arg10[%mul3A_80, %dma_wait3A_114] : memref<40x125xi32, #tpu.memory_space<vmem>> -> memref<1x125xi32, #tpu.memory_space<vmem>>
        %dma_wait3A_116 = tpu.memref_squeeze %dma_wait3A_115 : memref<1x125xi32, #tpu.memory_space<vmem>> -> memref<125xi32, #tpu.memory_space<vmem>>
        %dma_wait3A_117 = arith.constant 0 : i32
        %dma_wait3A_118 = arith.constant 0 : i32
        %dma_wait3A_119 = tpu.memref_slice %arg13[%dma_wait3A_117, %dma_wait3A_118] : memref<10000x128xf32, #tpu.memory_space<vmem_shared>> -> memref<10000x128xf32, #tpu.memory_space<vmem_shared>>
        tpu.wait_indirect_dma semaphore(%run_scoped3A : memref<!tpu.dma_semaphore, #tpu.memory_space<semaphore_mem>>) src(%arg11 : memref<125x128xf32, #tpu.memory_space<vmem>>) dst(%dma_wait3A_119 : memref<10000x128xf32, #tpu.memory_space<vmem_shared>>)
        tpu.yield
      }) : () -> ()
      %lt3A = arith.constant 19 : i32
      %lt3A_94 = arith.cmpi slt, %scan3A_78, %lt3A : i32
      %convert_element_type3A_95 = arith.extui %lt3A_94 : i1 to i32
      %cond3A_96 = arith.constant 0 : i32
      %cond3A_97 = arith.cmpi ne, %convert_element_type3A_95, %cond3A_96 : i32
      scf.if %cond3A_97 {
        %add3A_108 = arith.constant 2 : i32
        %add3A_109 = arith.addi %mul3A_80, %add3A_108 : i32
        %dma_start3A_110 = arith.constant 0 : i32
        %dma_start3A_111 = tpu.memref_slice %arg9[%add3A_109, %dma_start3A_110] : memref<40x125xi32, #tpu.memory_space<vmem>> -> memref<1x125xi32, #tpu.memory_space<vmem>>
        %dma_start3A_112 = tpu.memref_squeeze %dma_start3A_111 : memref<1x125xi32, #tpu.memory_space<vmem>> -> memref<125xi32, #tpu.memory_space<vmem>>
        %dma_start3A_113 = arith.constant 0 : i32
        %dma_start3A_114 = arith.constant 0 : i32
        %dma_start3A_115 = tpu.memref_slice %arg2[%dma_start3A_113, %dma_start3A_114] : memref<10000x128xf32, #tpu.memory_space<hbm>> -> memref<10000x128xf32, #tpu.memory_space<hbm>>
        tpu.enqueue_indirect_dma source(%dma_start3A_115 : memref<10000x128xf32, #tpu.memory_space<hbm>>) target(%arg11 : memref<125x128xf32, #tpu.memory_space<vmem>>) offsets(%dma_start3A_112 : memref<125xi32, #tpu.memory_space<vmem>>) semaphore(%arg14 : memref<!tpu.dma_semaphore, #tpu.memory_space<semaphore_mem>>)
      } else {
      }
      %add3A_98 = arith.constant 1 : i32
      %add3A_99 = arith.addi %mul3A_80, %add3A_98 : i32
      %dma_wait3A_100 = arith.constant 0 : i32
      %dma_wait3A_101 = tpu.memref_slice %arg9[%add3A_99, %dma_wait3A_100] : memref<40x125xi32, #tpu.memory_space<vmem>> -> memref<1x125xi32, #tpu.memory_space<vmem>>
      %dma_wait3A_102 = tpu.memref_squeeze %dma_wait3A_101 : memref<1x125xi32, #tpu.memory_space<vmem>> -> memref<125xi32, #tpu.memory_space<vmem>>
      %dma_wait3A_103 = arith.constant 0 : i32
      %dma_wait3A_104 = arith.constant 0 : i32
      %dma_wait3A_105 = tpu.memref_slice %arg2[%dma_wait3A_103, %dma_wait3A_104] : memref<10000x128xf32, #tpu.memory_space<hbm>> -> memref<10000x128xf32, #tpu.memory_space<hbm>>
      tpu.wait_indirect_dma semaphore(%arg15 : memref<!tpu.dma_semaphore, #tpu.memory_space<semaphore_mem>>) src(%dma_wait3A_105 : memref<10000x128xf32, #tpu.memory_space<hbm>>) dst(%arg12 : memref<125x128xf32, #tpu.memory_space<vmem>>)
      %add3A_106 = arith.constant 1 : i32
      %add3A_107 = arith.addi %mul3A_80, %add3A_106 : i32
      "tpu.region"() ({
        %run_scoped3A = tpu.sem_alloc : memref<!tpu.dma_semaphore, #tpu.memory_space<semaphore_mem>>
        %dma_start3A_108 = arith.constant 0 : i32
        %dma_start3A_109 = tpu.memref_slice %arg10[%add3A_107, %dma_start3A_108] : memref<40x125xi32, #tpu.memory_space<vmem>> -> memref<1x125xi32, #tpu.memory_space<vmem>>
        %dma_start3A_110 = tpu.memref_squeeze %dma_start3A_109 : memref<1x125xi32, #tpu.memory_space<vmem>> -> memref<125xi32, #tpu.memory_space<vmem>>
        %dma_start3A_111 = arith.constant 0 : i32
        %dma_start3A_112 = arith.constant 0 : i32
        %dma_start3A_113 = tpu.memref_slice %arg13[%dma_start3A_111, %dma_start3A_112] : memref<10000x128xf32, #tpu.memory_space<vmem_shared>> -> memref<10000x128xf32, #tpu.memory_space<vmem_shared>>
        tpu.enqueue_indirect_dma source(%arg12 : memref<125x128xf32, #tpu.memory_space<vmem>>) target(%dma_start3A_113 : memref<10000x128xf32, #tpu.memory_space<vmem_shared>>) offsets(%dma_start3A_110 : memref<125xi32, #tpu.memory_space<vmem>>) semaphore(%run_scoped3A : memref<!tpu.dma_semaphore, #tpu.memory_space<semaphore_mem>>) {add = true}
        %dma_wait3A_114 = arith.constant 0 : i32
        %dma_wait3A_115 = tpu.memref_slice %arg10[%add3A_107, %dma_wait3A_114] : memref<40x125xi32, #tpu.memory_space<vmem>> -> memref<1x125xi32, #tpu.memory_space<vmem>>
        %dma_wait3A_116 = tpu.memref_squeeze %dma_wait3A_115 : memref<1x125xi32, #tpu.memory_space<vmem>> -> memref<125xi32, #tpu.memory_space<vmem>>
        %dma_wait3A_117 = arith.constant 0 : i32
        %dma_wait3A_118 = arith.constant 0 : i32
        %dma_wait3A_119 = tpu.memref_slice %arg13[%dma_wait3A_117, %dma_wait3A_118] : memref<10000x128xf32, #tpu.memory_space<vmem_shared>> -> memref<10000x128xf32, #tpu.memory_space<vmem_shared>>
        tpu.wait_indirect_dma semaphore(%run_scoped3A : memref<!tpu.dma_semaphore, #tpu.memory_space<semaphore_mem>>) src(%arg12 : memref<125x128xf32, #tpu.memory_space<vmem>>) dst(%dma_wait3A_119 : memref<10000x128xf32, #tpu.memory_space<vmem_shared>>)
        tpu.yield
      }) : () -> ()
    }
    %scan3A_28 = arith.constant 20 : i32
    %barrier3A_29 = arith.constant 0 : index
    tpu.barrier barrier_id(%barrier3A_29)
    %mul3A_30 = arith.constant 624 : i32
    %mul3A_31 = arith.muli %arg1, %mul3A_30 : i32
    "tpu.region"() ({
      %run_scoped3A = tpu.sem_alloc : memref<!tpu.dma_semaphore, #tpu.memory_space<semaphore_mem>>
      %dma_start3A_78 = arith.constant 0 : i32
      %dma_start3A_79 = tpu.memref_slice %arg7[%arg0, %mul3A_31, %dma_start3A_78] : memref<2x10000x128xf32, #tpu.memory_space<hbm>> -> memref<1x624x128xf32, #tpu.memory_space<hbm>>
      %dma_start3A_80 = tpu.memref_squeeze %dma_start3A_79 : memref<1x624x128xf32, #tpu.memory_space<hbm>> -> memref<624x128xf32, #tpu.memory_space<hbm>>
      %dma_start3A_81 = arith.constant 0 : i32
      %dma_start3A_82 = tpu.memref_slice %arg13[%mul3A_31, %dma_start3A_81] : memref<10000x128xf32, #tpu.memory_space<vmem_shared>> -> memref<624x128xf32, #tpu.memory_space<vmem_shared>>
      tpu.enqueue_dma source(%dma_start3A_82 : memref<624x128xf32, #tpu.memory_space<vmem_shared>>) target(%dma_start3A_80 : memref<624x128xf32, #tpu.memory_space<hbm>>) target_semaphore(%run_scoped3A : memref<!tpu.dma_semaphore, #tpu.memory_space<semaphore_mem>>)
      %dma_wait3A = arith.constant 0 : i32
      %dma_wait3A_83 = tpu.memref_slice %arg7[%arg0, %mul3A_31, %dma_wait3A] : memref<2x10000x128xf32, #tpu.memory_space<hbm>> -> memref<1x624x128xf32, #tpu.memory_space<hbm>>
      %dma_wait3A_84 = tpu.memref_squeeze %dma_wait3A_83 : memref<1x624x128xf32, #tpu.memory_space<hbm>> -> memref<624x128xf32, #tpu.memory_space<hbm>>
      %dma_wait3A_85 = arith.constant 0 : i32
      %dma_wait3A_86 = tpu.memref_slice %arg13[%mul3A_31, %dma_wait3A_85] : memref<10000x128xf32, #tpu.memory_space<vmem_shared>> -> memref<624x128xf32, #tpu.memory_space<vmem_shared>>
      tpu.wait_dma2 semaphore(%run_scoped3A : memref<!tpu.dma_semaphore, #tpu.memory_space<semaphore_mem>>) src(%dma_wait3A_86 : memref<624x128xf32, #tpu.memory_space<vmem_shared>>) dst(%dma_wait3A_84 : memref<624x128xf32, #tpu.memory_space<hbm>>)
      tpu.yield
    }) : () -> ()
    %eq3A_32 = arith.constant 15 : i32
    %eq3A_33 = arith.cmpi eq, %arg1, %eq3A_32 : i32
    %convert_element_type3A_34 = arith.extui %eq3A_33 : i1 to i32
    %cond3A_35 = arith.constant 0 : i32
    %cond3A_36 = arith.cmpi ne, %convert_element_type3A_34, %cond3A_35 : i32
    scf.if %cond3A_36 {
      "tpu.region"() ({
        %run_scoped3A = tpu.sem_alloc : memref<!tpu.dma_semaphore, #tpu.memory_space<semaphore_mem>>
        %dma_start3A_78 = arith.constant 9984 : i32
        %dma_start3A_79 = arith.constant 0 : i32
        %dma_start3A_80 = tpu.memref_slice %arg7[%arg0, %dma_start3A_78, %dma_start3A_79] : memref<2x10000x128xf32, #tpu.memory_space<hbm>> -> memref<1x16x128xf32, #tpu.memory_space<hbm>>
        %dma_start3A_81 = tpu.memref_squeeze %dma_start3A_80 : memref<1x16x128xf32, #tpu.memory_space<hbm>> -> memref<16x128xf32, #tpu.memory_space<hbm>>
        %dma_start3A_82 = arith.constant 9984 : i32
        %dma_start3A_83 = arith.constant 0 : i32
        %dma_start3A_84 = tpu.memref_slice %arg13[%dma_start3A_82, %dma_start3A_83] : memref<10000x128xf32, #tpu.memory_space<vmem_shared>> -> memref<16x128xf32, #tpu.memory_space<vmem_shared>>
        tpu.enqueue_dma source(%dma_start3A_84 : memref<16x128xf32, #tpu.memory_space<vmem_shared>>) target(%dma_start3A_81 : memref<16x128xf32, #tpu.memory_space<hbm>>) target_semaphore(%run_scoped3A : memref<!tpu.dma_semaphore, #tpu.memory_space<semaphore_mem>>)
        %dma_wait3A = arith.constant 9984 : i32
        %dma_wait3A_85 = arith.constant 0 : i32
        %dma_wait3A_86 = tpu.memref_slice %arg7[%arg0, %dma_wait3A, %dma_wait3A_85] : memref<2x10000x128xf32, #tpu.memory_space<hbm>> -> memref<1x16x128xf32, #tpu.memory_space<hbm>>
        %dma_wait3A_87 = tpu.memref_squeeze %dma_wait3A_86 : memref<1x16x128xf32, #tpu.memory_space<hbm>> -> memref<16x128xf32, #tpu.memory_space<hbm>>
        %dma_wait3A_88 = arith.constant 9984 : i32
        %dma_wait3A_89 = arith.constant 0 : i32
        %dma_wait3A_90 = tpu.memref_slice %arg13[%dma_wait3A_88, %dma_wait3A_89] : memref<10000x128xf32, #tpu.memory_space<vmem_shared>> -> memref<16x128xf32, #tpu.memory_space<vmem_shared>>
        tpu.wait_dma2 semaphore(%run_scoped3A : memref<!tpu.dma_semaphore, #tpu.memory_space<semaphore_mem>>) src(%dma_wait3A_90 : memref<16x128xf32, #tpu.memory_space<vmem_shared>>) dst(%dma_wait3A_87 : memref<16x128xf32, #tpu.memory_space<hbm>>)
        tpu.yield
      }) : () -> ()
    } else {
    }
    %barrier3A_37 = arith.constant 0 : index
    tpu.barrier barrier_id(%barrier3A_37)
    %mul3A_38 = arith.constant 624 : i32
    %mul3A_39 = arith.muli %arg1, %mul3A_38 : i32
    "tpu.region"() ({
      %run_scoped3A = tpu.sem_alloc : memref<!tpu.dma_semaphore, #tpu.memory_space<semaphore_mem>>
      %dma_start3A_78 = arith.constant 0 : i32
      %dma_start3A_79 = tpu.memref_slice %arg13[%mul3A_39, %dma_start3A_78] : memref<10000x128xf32, #tpu.memory_space<vmem_shared>> -> memref<624x128xf32, #tpu.memory_space<vmem_shared>>
      %dma_start3A_80 = arith.constant 0 : i32
      %dma_start3A_81 = tpu.memref_slice %arg5[%mul3A_39, %dma_start3A_80] : memref<10000x128xf32, #tpu.memory_space<hbm>> -> memref<624x128xf32, #tpu.memory_space<hbm>>
      tpu.enqueue_dma source(%dma_start3A_81 : memref<624x128xf32, #tpu.memory_space<hbm>>) target(%dma_start3A_79 : memref<624x128xf32, #tpu.memory_space<vmem_shared>>) target_semaphore(%run_scoped3A : memref<!tpu.dma_semaphore, #tpu.memory_space<semaphore_mem>>)
      %dma_wait3A = arith.constant 0 : i32
      %dma_wait3A_82 = tpu.memref_slice %arg13[%mul3A_39, %dma_wait3A] : memref<10000x128xf32, #tpu.memory_space<vmem_shared>> -> memref<624x128xf32, #tpu.memory_space<vmem_shared>>
      %dma_wait3A_83 = arith.constant 0 : i32
      %dma_wait3A_84 = tpu.memref_slice %arg5[%mul3A_39, %dma_wait3A_83] : memref<10000x128xf32, #tpu.memory_space<hbm>> -> memref<624x128xf32, #tpu.memory_space<hbm>>
      tpu.wait_dma2 semaphore(%run_scoped3A : memref<!tpu.dma_semaphore, #tpu.memory_space<semaphore_mem>>) src(%dma_wait3A_84 : memref<624x128xf32, #tpu.memory_space<hbm>>) dst(%dma_wait3A_82 : memref<624x128xf32, #tpu.memory_space<vmem_shared>>)
      tpu.yield
    }) : () -> ()
    %eq3A_40 = arith.constant 15 : i32
    %eq3A_41 = arith.cmpi eq, %arg1, %eq3A_40 : i32
    %convert_element_type3A_42 = arith.extui %eq3A_41 : i1 to i32
    %cond3A_43 = arith.constant 0 : i32
    %cond3A_44 = arith.cmpi ne, %convert_element_type3A_42, %cond3A_43 : i32
    scf.if %cond3A_44 {
      "tpu.region"() ({
        %run_scoped3A = tpu.sem_alloc : memref<!tpu.dma_semaphore, #tpu.memory_space<semaphore_mem>>
        %dma_start3A_78 = arith.constant 9984 : i32
        %dma_start3A_79 = arith.constant 0 : i32
        %dma_start3A_80 = tpu.memref_slice %arg13[%dma_start3A_78, %dma_start3A_79] : memref<10000x128xf32, #tpu.memory_space<vmem_shared>> -> memref<16x128xf32, #tpu.memory_space<vmem_shared>>
        %dma_start3A_81 = arith.constant 9984 : i32
        %dma_start3A_82 = arith.constant 0 : i32
        %dma_start3A_83 = tpu.memref_slice %arg5[%dma_start3A_81, %dma_start3A_82] : memref<10000x128xf32, #tpu.memory_space<hbm>> -> memref<16x128xf32, #tpu.memory_space<hbm>>
        tpu.enqueue_dma source(%dma_start3A_83 : memref<16x128xf32, #tpu.memory_space<hbm>>) target(%dma_start3A_80 : memref<16x128xf32, #tpu.memory_space<vmem_shared>>) target_semaphore(%run_scoped3A : memref<!tpu.dma_semaphore, #tpu.memory_space<semaphore_mem>>)
        %dma_wait3A = arith.constant 9984 : i32
        %dma_wait3A_84 = arith.constant 0 : i32
        %dma_wait3A_85 = tpu.memref_slice %arg13[%dma_wait3A, %dma_wait3A_84] : memref<10000x128xf32, #tpu.memory_space<vmem_shared>> -> memref<16x128xf32, #tpu.memory_space<vmem_shared>>
        %dma_wait3A_86 = arith.constant 9984 : i32
        %dma_wait3A_87 = arith.constant 0 : i32
        %dma_wait3A_88 = tpu.memref_slice %arg5[%dma_wait3A_86, %dma_wait3A_87] : memref<10000x128xf32, #tpu.memory_space<hbm>> -> memref<16x128xf32, #tpu.memory_space<hbm>>
        tpu.wait_dma2 semaphore(%run_scoped3A : memref<!tpu.dma_semaphore, #tpu.memory_space<semaphore_mem>>) src(%dma_wait3A_88 : memref<16x128xf32, #tpu.memory_space<hbm>>) dst(%dma_wait3A_85 : memref<16x128xf32, #tpu.memory_space<vmem_shared>>)
        tpu.yield
      }) : () -> ()
    } else {
    }
    "tpu.region"() ({
      %run_scoped3A = tpu.sem_alloc : memref<!tpu.dma_semaphore, #tpu.memory_space<semaphore_mem>>
      tpu.enqueue_dma source(%arg6 : memref<125x128xf32, #tpu.memory_space<hbm>>) target(%arg11 : memref<125x128xf32, #tpu.memory_space<vmem>>) target_semaphore(%run_scoped3A : memref<!tpu.dma_semaphore, #tpu.memory_space<semaphore_mem>>)
      tpu.wait_dma2 semaphore(%run_scoped3A : memref<!tpu.dma_semaphore, #tpu.memory_space<semaphore_mem>>) src(%arg6 : memref<125x128xf32, #tpu.memory_space<hbm>>) dst(%arg11 : memref<125x128xf32, #tpu.memory_space<vmem>>)
      tpu.yield
    }) : () -> ()
    %barrier3A_45 = arith.constant 0 : index
    tpu.barrier barrier_id(%barrier3A_45)
    "tpu.region"() ({
      %run_scoped3A = tpu.sem_alloc : memref<!tpu.dma_semaphore, #tpu.memory_space<semaphore_mem>>
      %dma_start3A_78 = arith.constant 0 : i32
      %dma_start3A_79 = arith.constant 0 : i32
      %dma_start3A_80 = tpu.memref_slice %arg4[%add3A, %dma_start3A_78, %dma_start3A_79] : memref<32x80x125xi32, #tpu.memory_space<hbm>> -> memref<1x40x125xi32, #tpu.memory_space<hbm>>
      %dma_start3A_81 = tpu.memref_squeeze %dma_start3A_80 : memref<1x40x125xi32, #tpu.memory_space<hbm>> -> memref<40x125xi32, #tpu.memory_space<hbm>>
      %dma_start3A_82 = arith.constant 0 : i32
      %dma_start3A_83 = arith.constant 0 : i32
      %dma_start3A_84 = tpu.memref_slice %arg4[%add3A, %dma_start3A_82, %dma_start3A_83] : memref<32x80x125xi32, #tpu.memory_space<hbm>> -> memref<1x40x125xi32, #tpu.memory_space<hbm>>
      %dma_start3A_85 = tpu.memref_squeeze %dma_start3A_84 : memref<1x40x125xi32, #tpu.memory_space<hbm>> -> memref<40x125xi32, #tpu.memory_space<hbm>>
      tpu.enqueue_dma source(%dma_start3A_85 : memref<40x125xi32, #tpu.memory_space<hbm>>) target(%arg10 : memref<40x125xi32, #tpu.memory_space<vmem>>) target_semaphore(%run_scoped3A : memref<!tpu.dma_semaphore, #tpu.memory_space<semaphore_mem>>)
      %dma_wait3A = arith.constant 0 : i32
      %dma_wait3A_86 = arith.constant 0 : i32
      %dma_wait3A_87 = tpu.memref_slice %arg4[%add3A, %dma_wait3A, %dma_wait3A_86] : memref<32x80x125xi32, #tpu.memory_space<hbm>> -> memref<1x40x125xi32, #tpu.memory_space<hbm>>
      %dma_wait3A_88 = tpu.memref_squeeze %dma_wait3A_87 : memref<1x40x125xi32, #tpu.memory_space<hbm>> -> memref<40x125xi32, #tpu.memory_space<hbm>>
      %dma_wait3A_89 = arith.constant 0 : i32
      %dma_wait3A_90 = arith.constant 0 : i32
      %dma_wait3A_91 = tpu.memref_slice %arg4[%add3A, %dma_wait3A_89, %dma_wait3A_90] : memref<32x80x125xi32, #tpu.memory_space<hbm>> -> memref<1x40x125xi32, #tpu.memory_space<hbm>>
      %dma_wait3A_92 = tpu.memref_squeeze %dma_wait3A_91 : memref<1x40x125xi32, #tpu.memory_space<hbm>> -> memref<40x125xi32, #tpu.memory_space<hbm>>
      tpu.wait_dma2 semaphore(%run_scoped3A : memref<!tpu.dma_semaphore, #tpu.memory_space<semaphore_mem>>) src(%dma_wait3A_92 : memref<40x125xi32, #tpu.memory_space<hbm>>) dst(%arg10 : memref<40x125xi32, #tpu.memory_space<vmem>>)
      tpu.yield
    }) : () -> ()
    %scan3A_46 = arith.constant 0 : i32
    %scan3A_47 = arith.constant 0 : i32
    %scan3A_48 = arith.constant 40 : i32
    %scan3A_49 = arith.addi %scan3A_47, %scan3A_48 : i32
    %scan3A_50 = arith.constant 1 : i32
    scf.for %scan3A_78 = %scan3A_47 to %scan3A_49 step %scan3A_50  : i32 {
      %dma_start3A_79 = arith.constant 0 : i32
      %dma_start3A_80 = tpu.memref_slice %arg10[%scan3A_78, %dma_start3A_79] : memref<40x125xi32, #tpu.memory_space<vmem>> -> memref<1x125xi32, #tpu.memory_space<vmem>>
      %dma_start3A_81 = tpu.memref_squeeze %dma_start3A_80 : memref<1x125xi32, #tpu.memory_space<vmem>> -> memref<125xi32, #tpu.memory_space<vmem>>
      %dma_start3A_82 = arith.constant 0 : i32
      %dma_start3A_83 = arith.constant 0 : i32
      %dma_start3A_84 = tpu.memref_slice %arg13[%dma_start3A_82, %dma_start3A_83] : memref<10000x128xf32, #tpu.memory_space<vmem_shared>> -> memref<10000x128xf32, #tpu.memory_space<vmem_shared>>
      tpu.enqueue_indirect_dma source(%arg11 : memref<125x128xf32, #tpu.memory_space<vmem>>) target(%dma_start3A_84 : memref<10000x128xf32, #tpu.memory_space<vmem_shared>>) offsets(%dma_start3A_81 : memref<125xi32, #tpu.memory_space<vmem>>) semaphore(%arg14 : memref<!tpu.dma_semaphore, #tpu.memory_space<semaphore_mem>>) {add = true}
    }
    %scan3A_51 = arith.constant 40 : i32
    %scan3A_52 = arith.constant 0 : i32
    %scan3A_53 = arith.constant 0 : i32
    %scan3A_54 = arith.constant 40 : i32
    %scan3A_55 = arith.addi %scan3A_53, %scan3A_54 : i32
    %scan3A_56 = arith.constant 1 : i32
    scf.for %scan3A_78 = %scan3A_53 to %scan3A_55 step %scan3A_56  : i32 {
      %dma_wait3A = arith.constant 0 : i32
      %dma_wait3A_79 = tpu.memref_slice %arg10[%scan3A_78, %dma_wait3A] : memref<40x125xi32, #tpu.memory_space<vmem>> -> memref<1x125xi32, #tpu.memory_space<vmem>>
      %dma_wait3A_80 = tpu.memref_squeeze %dma_wait3A_79 : memref<1x125xi32, #tpu.memory_space<vmem>> -> memref<125xi32, #tpu.memory_space<vmem>>
      %dma_wait3A_81 = arith.constant 0 : i32
      %dma_wait3A_82 = arith.constant 0 : i32
      %dma_wait3A_83 = tpu.memref_slice %arg13[%dma_wait3A_81, %dma_wait3A_82] : memref<10000x128xf32, #tpu.memory_space<vmem_shared>> -> memref<10000x128xf32, #tpu.memory_space<vmem_shared>>
      tpu.wait_indirect_dma semaphore(%arg14 : memref<!tpu.dma_semaphore, #tpu.memory_space<semaphore_mem>>) src(%arg11 : memref<125x128xf32, #tpu.memory_space<vmem>>) dst(%dma_wait3A_83 : memref<10000x128xf32, #tpu.memory_space<vmem_shared>>)
    }
    %scan3A_57 = arith.constant 40 : i32
    "tpu.region"() ({
      %run_scoped3A = tpu.sem_alloc : memref<!tpu.dma_semaphore, #tpu.memory_space<semaphore_mem>>
      %dma_start3A_78 = arith.constant 40 : i32
      %dma_start3A_79 = arith.constant 0 : i32
      %dma_start3A_80 = tpu.memref_slice %arg4[%add3A, %dma_start3A_78, %dma_start3A_79] : memref<32x80x125xi32, #tpu.memory_space<hbm>> -> memref<1x40x125xi32, #tpu.memory_space<hbm>>
      %dma_start3A_81 = tpu.memref_squeeze %dma_start3A_80 : memref<1x40x125xi32, #tpu.memory_space<hbm>> -> memref<40x125xi32, #tpu.memory_space<hbm>>
      %dma_start3A_82 = arith.constant 40 : i32
      %dma_start3A_83 = arith.constant 0 : i32
      %dma_start3A_84 = tpu.memref_slice %arg4[%add3A, %dma_start3A_82, %dma_start3A_83] : memref<32x80x125xi32, #tpu.memory_space<hbm>> -> memref<1x40x125xi32, #tpu.memory_space<hbm>>
      %dma_start3A_85 = tpu.memref_squeeze %dma_start3A_84 : memref<1x40x125xi32, #tpu.memory_space<hbm>> -> memref<40x125xi32, #tpu.memory_space<hbm>>
      tpu.enqueue_dma source(%dma_start3A_85 : memref<40x125xi32, #tpu.memory_space<hbm>>) target(%arg10 : memref<40x125xi32, #tpu.memory_space<vmem>>) target_semaphore(%run_scoped3A : memref<!tpu.dma_semaphore, #tpu.memory_space<semaphore_mem>>)
      %dma_wait3A = arith.constant 40 : i32
      %dma_wait3A_86 = arith.constant 0 : i32
      %dma_wait3A_87 = tpu.memref_slice %arg4[%add3A, %dma_wait3A, %dma_wait3A_86] : memref<32x80x125xi32, #tpu.memory_space<hbm>> -> memref<1x40x125xi32, #tpu.memory_space<hbm>>
      %dma_wait3A_88 = tpu.memref_squeeze %dma_wait3A_87 : memref<1x40x125xi32, #tpu.memory_space<hbm>> -> memref<40x125xi32, #tpu.memory_space<hbm>>
      %dma_wait3A_89 = arith.constant 40 : i32
      %dma_wait3A_90 = arith.constant 0 : i32
      %dma_wait3A_91 = tpu.memref_slice %arg4[%add3A, %dma_wait3A_89, %dma_wait3A_90] : memref<32x80x125xi32, #tpu.memory_space<hbm>> -> memref<1x40x125xi32, #tpu.memory_space<hbm>>
      %dma_wait3A_92 = tpu.memref_squeeze %dma_wait3A_91 : memref<1x40x125xi32, #tpu.memory_space<hbm>> -> memref<40x125xi32, #tpu.memory_space<hbm>>
      tpu.wait_dma2 semaphore(%run_scoped3A : memref<!tpu.dma_semaphore, #tpu.memory_space<semaphore_mem>>) src(%dma_wait3A_92 : memref<40x125xi32, #tpu.memory_space<hbm>>) dst(%arg10 : memref<40x125xi32, #tpu.memory_space<vmem>>)
      tpu.yield
    }) : () -> ()
    %scan3A_58 = arith.constant 0 : i32
    %scan3A_59 = arith.constant 0 : i32
    %scan3A_60 = arith.constant 40 : i32
    %scan3A_61 = arith.addi %scan3A_59, %scan3A_60 : i32
    %scan3A_62 = arith.constant 1 : i32
    scf.for %scan3A_78 = %scan3A_59 to %scan3A_61 step %scan3A_62  : i32 {
      %dma_start3A_79 = arith.constant 0 : i32
      %dma_start3A_80 = tpu.memref_slice %arg10[%scan3A_78, %dma_start3A_79] : memref<40x125xi32, #tpu.memory_space<vmem>> -> memref<1x125xi32, #tpu.memory_space<vmem>>
      %dma_start3A_81 = tpu.memref_squeeze %dma_start3A_80 : memref<1x125xi32, #tpu.memory_space<vmem>> -> memref<125xi32, #tpu.memory_space<vmem>>
      %dma_start3A_82 = arith.constant 0 : i32
      %dma_start3A_83 = arith.constant 0 : i32
      %dma_start3A_84 = tpu.memref_slice %arg13[%dma_start3A_82, %dma_start3A_83] : memref<10000x128xf32, #tpu.memory_space<vmem_shared>> -> memref<10000x128xf32, #tpu.memory_space<vmem_shared>>
      tpu.enqueue_indirect_dma source(%arg11 : memref<125x128xf32, #tpu.memory_space<vmem>>) target(%dma_start3A_84 : memref<10000x128xf32, #tpu.memory_space<vmem_shared>>) offsets(%dma_start3A_81 : memref<125xi32, #tpu.memory_space<vmem>>) semaphore(%arg14 : memref<!tpu.dma_semaphore, #tpu.memory_space<semaphore_mem>>) {add = true}
    }
    %scan3A_63 = arith.constant 40 : i32
    %scan3A_64 = arith.constant 0 : i32
    %scan3A_65 = arith.constant 0 : i32
    %scan3A_66 = arith.constant 40 : i32
    %scan3A_67 = arith.addi %scan3A_65, %scan3A_66 : i32
    %scan3A_68 = arith.constant 1 : i32
    scf.for %scan3A_78 = %scan3A_65 to %scan3A_67 step %scan3A_68  : i32 {
      %dma_wait3A = arith.constant 0 : i32
      %dma_wait3A_79 = tpu.memref_slice %arg10[%scan3A_78, %dma_wait3A] : memref<40x125xi32, #tpu.memory_space<vmem>> -> memref<1x125xi32, #tpu.memory_space<vmem>>
      %dma_wait3A_80 = tpu.memref_squeeze %dma_wait3A_79 : memref<1x125xi32, #tpu.memory_space<vmem>> -> memref<125xi32, #tpu.memory_space<vmem>>
      %dma_wait3A_81 = arith.constant 0 : i32
      %dma_wait3A_82 = arith.constant 0 : i32
      %dma_wait3A_83 = tpu.memref_slice %arg13[%dma_wait3A_81, %dma_wait3A_82] : memref<10000x128xf32, #tpu.memory_space<vmem_shared>> -> memref<10000x128xf32, #tpu.memory_space<vmem_shared>>
      tpu.wait_indirect_dma semaphore(%arg14 : memref<!tpu.dma_semaphore, #tpu.memory_space<semaphore_mem>>) src(%arg11 : memref<125x128xf32, #tpu.memory_space<vmem>>) dst(%dma_wait3A_83 : memref<10000x128xf32, #tpu.memory_space<vmem_shared>>)
    }
    %scan3A_69 = arith.constant 40 : i32
    %barrier3A_70 = arith.constant 0 : index
    tpu.barrier barrier_id(%barrier3A_70)
    %mul3A_71 = arith.constant 624 : i32
    %mul3A_72 = arith.muli %arg1, %mul3A_71 : i32
    "tpu.region"() ({
      %run_scoped3A = tpu.sem_alloc : memref<!tpu.dma_semaphore, #tpu.memory_space<semaphore_mem>>
      %dma_start3A_78 = arith.constant 0 : i32
      %dma_start3A_79 = tpu.memref_slice %arg8[%arg0, %mul3A_72, %dma_start3A_78] : memref<2x10000x128xf32, #tpu.memory_space<hbm>> -> memref<1x624x128xf32, #tpu.memory_space<hbm>>
      %dma_start3A_80 = tpu.memref_squeeze %dma_start3A_79 : memref<1x624x128xf32, #tpu.memory_space<hbm>> -> memref<624x128xf32, #tpu.memory_space<hbm>>
      %dma_start3A_81 = arith.constant 0 : i32
      %dma_start3A_82 = tpu.memref_slice %arg13[%mul3A_72, %dma_start3A_81] : memref<10000x128xf32, #tpu.memory_space<vmem_shared>> -> memref<624x128xf32, #tpu.memory_space<vmem_shared>>
      tpu.enqueue_dma source(%dma_start3A_82 : memref<624x128xf32, #tpu.memory_space<vmem_shared>>) target(%dma_start3A_80 : memref<624x128xf32, #tpu.memory_space<hbm>>) target_semaphore(%run_scoped3A : memref<!tpu.dma_semaphore, #tpu.memory_space<semaphore_mem>>)
      %dma_wait3A = arith.constant 0 : i32
      %dma_wait3A_83 = tpu.memref_slice %arg8[%arg0, %mul3A_72, %dma_wait3A] : memref<2x10000x128xf32, #tpu.memory_space<hbm>> -> memref<1x624x128xf32, #tpu.memory_space<hbm>>
      %dma_wait3A_84 = tpu.memref_squeeze %dma_wait3A_83 : memref<1x624x128xf32, #tpu.memory_space<hbm>> -> memref<624x128xf32, #tpu.memory_space<hbm>>
      %dma_wait3A_85 = arith.constant 0 : i32
      %dma_wait3A_86 = tpu.memref_slice %arg13[%mul3A_72, %dma_wait3A_85] : memref<10000x128xf32, #tpu.memory_space<vmem_shared>> -> memref<624x128xf32, #tpu.memory_space<vmem_shared>>
      tpu.wait_dma2 semaphore(%run_scoped3A : memref<!tpu.dma_semaphore, #tpu.memory_space<semaphore_mem>>) src(%dma_wait3A_86 : memref<624x128xf32, #tpu.memory_space<vmem_shared>>) dst(%dma_wait3A_84 : memref<624x128xf32, #tpu.memory_space<hbm>>)
      tpu.yield
    }) : () -> ()
    %eq3A_73 = arith.constant 15 : i32
    %eq3A_74 = arith.cmpi eq, %arg1, %eq3A_73 : i32
    %convert_element_type3A_75 = arith.extui %eq3A_74 : i1 to i32
    %cond3A_76 = arith.constant 0 : i32
    %cond3A_77 = arith.cmpi ne, %convert_element_type3A_75, %cond3A_76 : i32
    scf.if %cond3A_77 {
      "tpu.region"() ({
        %run_scoped3A = tpu.sem_alloc : memref<!tpu.dma_semaphore, #tpu.memory_space<semaphore_mem>>
        %dma_start3A_78 = arith.constant 9984 : i32
        %dma_start3A_79 = arith.constant 0 : i32
        %dma_start3A_80 = tpu.memref_slice %arg8[%arg0, %dma_start3A_78, %dma_start3A_79] : memref<2x10000x128xf32, #tpu.memory_space<hbm>> -> memref<1x16x128xf32, #tpu.memory_space<hbm>>
        %dma_start3A_81 = tpu.memref_squeeze %dma_start3A_80 : memref<1x16x128xf32, #tpu.memory_space<hbm>> -> memref<16x128xf32, #tpu.memory_space<hbm>>
        %dma_start3A_82 = arith.constant 9984 : i32
        %dma_start3A_83 = arith.constant 0 : i32
        %dma_start3A_84 = tpu.memref_slice %arg13[%dma_start3A_82, %dma_start3A_83] : memref<10000x128xf32, #tpu.memory_space<vmem_shared>> -> memref<16x128xf32, #tpu.memory_space<vmem_shared>>
        tpu.enqueue_dma source(%dma_start3A_84 : memref<16x128xf32, #tpu.memory_space<vmem_shared>>) target(%dma_start3A_81 : memref<16x128xf32, #tpu.memory_space<hbm>>) target_semaphore(%run_scoped3A : memref<!tpu.dma_semaphore, #tpu.memory_space<semaphore_mem>>)
        %dma_wait3A = arith.constant 9984 : i32
        %dma_wait3A_85 = arith.constant 0 : i32
        %dma_wait3A_86 = tpu.memref_slice %arg8[%arg0, %dma_wait3A, %dma_wait3A_85] : memref<2x10000x128xf32, #tpu.memory_space<hbm>> -> memref<1x16x128xf32, #tpu.memory_space<hbm>>
        %dma_wait3A_87 = tpu.memref_squeeze %dma_wait3A_86 : memref<1x16x128xf32, #tpu.memory_space<hbm>> -> memref<16x128xf32, #tpu.memory_space<hbm>>
        %dma_wait3A_88 = arith.constant 9984 : i32
        %dma_wait3A_89 = arith.constant 0 : i32
        %dma_wait3A_90 = tpu.memref_slice %arg13[%dma_wait3A_88, %dma_wait3A_89] : memref<10000x128xf32, #tpu.memory_space<vmem_shared>> -> memref<16x128xf32, #tpu.memory_space<vmem_shared>>
        tpu.wait_dma2 semaphore(%run_scoped3A : memref<!tpu.dma_semaphore, #tpu.memory_space<semaphore_mem>>) src(%dma_wait3A_90 : memref<16x128xf32, #tpu.memory_space<vmem_shared>>) dst(%dma_wait3A_87 : memref<16x128xf32, #tpu.memory_space<hbm>>)
        tpu.yield
      }) : () -> ()
    } else {
    }
    return
  }
}

#map = affine_map<(d0, d1) -> (0, 0)>
#map1 = affine_map<(d0, d1) -> (0, 0, 0)>
module attributes {stable_mosaic.version = 14 : i64} {
  func.func @_segsum_body(%arg0: i32, %arg1: i32, %arg2: memref<10000x128xf32, #tpu.memory_space<hbm>>, %arg3: memref<32x80x125xi32, #tpu.memory_space<hbm>>, %arg4: memref<32x80x125xi32, #tpu.memory_space<hbm>>, %arg5: memref<10000x128xf32, #tpu.memory_space<hbm>>, %arg6: memref<2x10000x128xf32, #tpu.memory_space<hbm>>, %arg7: memref<40x125xi32, #tpu.memory_space<vmem>>, %arg8: memref<40x125xi32, #tpu.memory_space<vmem>>, %arg9: memref<125x128xf32, #tpu.memory_space<vmem>>, %arg10: memref<125x128xf32, #tpu.memory_space<vmem>>, %arg11: memref<10000x128xf32, #tpu.memory_space<vmem_shared>>, %arg12: memref<!tpu.dma_semaphore, #tpu.memory_space<semaphore_mem>>, %arg13: memref<!tpu.dma_semaphore, #tpu.memory_space<semaphore_mem>>) attributes {dimension_semantics = [#tpu.dimension_semantics<core_parallel>, #tpu.dimension_semantics<subcore_parallel>], iteration_bounds = array<i64: 2, 16>, scalar_prefetch = 0 : i64, scratch_operands = 7 : i64, tpu.core_type = #tpu.core_type<sc_vector_subcore>, window_params = [{transform_indices = #map}, {transform_indices = #map1}, {transform_indices = #map1}, {transform_indices = #map}, {transform_indices = #map1}]} {
    %mul3A = arith.constant 2 : i32
    %mul3A_0 = arith.muli %arg1, %mul3A : i32
    %add3A = arith.addi %mul3A_0, %arg0 : i32
    "tpu.region"() ({
      %run_scoped3A = tpu.sem_alloc : memref<!tpu.dma_semaphore, #tpu.memory_space<semaphore_mem>>
      %dma_start3A_37 = arith.constant 0 : i32
      %dma_start3A_38 = arith.constant 0 : i32
      %dma_start3A_39 = tpu.memref_slice %arg3[%add3A, %dma_start3A_37, %dma_start3A_38] : memref<32x80x125xi32, #tpu.memory_space<hbm>> -> memref<1x40x125xi32, #tpu.memory_space<hbm>>
      %dma_start3A_40 = tpu.memref_squeeze %dma_start3A_39 : memref<1x40x125xi32, #tpu.memory_space<hbm>> -> memref<40x125xi32, #tpu.memory_space<hbm>>
      %dma_start3A_41 = arith.constant 0 : i32
      %dma_start3A_42 = arith.constant 0 : i32
      %dma_start3A_43 = tpu.memref_slice %arg3[%add3A, %dma_start3A_41, %dma_start3A_42] : memref<32x80x125xi32, #tpu.memory_space<hbm>> -> memref<1x40x125xi32, #tpu.memory_space<hbm>>
      %dma_start3A_44 = tpu.memref_squeeze %dma_start3A_43 : memref<1x40x125xi32, #tpu.memory_space<hbm>> -> memref<40x125xi32, #tpu.memory_space<hbm>>
      tpu.enqueue_dma source(%dma_start3A_44 : memref<40x125xi32, #tpu.memory_space<hbm>>) target(%arg7 : memref<40x125xi32, #tpu.memory_space<vmem>>) target_semaphore(%run_scoped3A : memref<!tpu.dma_semaphore, #tpu.memory_space<semaphore_mem>>)
      %dma_wait3A = arith.constant 0 : i32
      %dma_wait3A_45 = arith.constant 0 : i32
      %dma_wait3A_46 = tpu.memref_slice %arg3[%add3A, %dma_wait3A, %dma_wait3A_45] : memref<32x80x125xi32, #tpu.memory_space<hbm>> -> memref<1x40x125xi32, #tpu.memory_space<hbm>>
      %dma_wait3A_47 = tpu.memref_squeeze %dma_wait3A_46 : memref<1x40x125xi32, #tpu.memory_space<hbm>> -> memref<40x125xi32, #tpu.memory_space<hbm>>
      %dma_wait3A_48 = arith.constant 0 : i32
      %dma_wait3A_49 = arith.constant 0 : i32
      %dma_wait3A_50 = tpu.memref_slice %arg3[%add3A, %dma_wait3A_48, %dma_wait3A_49] : memref<32x80x125xi32, #tpu.memory_space<hbm>> -> memref<1x40x125xi32, #tpu.memory_space<hbm>>
      %dma_wait3A_51 = tpu.memref_squeeze %dma_wait3A_50 : memref<1x40x125xi32, #tpu.memory_space<hbm>> -> memref<40x125xi32, #tpu.memory_space<hbm>>
      tpu.wait_dma2 semaphore(%run_scoped3A : memref<!tpu.dma_semaphore, #tpu.memory_space<semaphore_mem>>) src(%dma_wait3A_51 : memref<40x125xi32, #tpu.memory_space<hbm>>) dst(%arg7 : memref<40x125xi32, #tpu.memory_space<vmem>>)
      tpu.yield
    }) : () -> ()
    "tpu.region"() ({
      %run_scoped3A = tpu.sem_alloc : memref<!tpu.dma_semaphore, #tpu.memory_space<semaphore_mem>>
      %dma_start3A_37 = arith.constant 0 : i32
      %dma_start3A_38 = arith.constant 0 : i32
      %dma_start3A_39 = tpu.memref_slice %arg4[%add3A, %dma_start3A_37, %dma_start3A_38] : memref<32x80x125xi32, #tpu.memory_space<hbm>> -> memref<1x40x125xi32, #tpu.memory_space<hbm>>
      %dma_start3A_40 = tpu.memref_squeeze %dma_start3A_39 : memref<1x40x125xi32, #tpu.memory_space<hbm>> -> memref<40x125xi32, #tpu.memory_space<hbm>>
      %dma_start3A_41 = arith.constant 0 : i32
      %dma_start3A_42 = arith.constant 0 : i32
      %dma_start3A_43 = tpu.memref_slice %arg4[%add3A, %dma_start3A_41, %dma_start3A_42] : memref<32x80x125xi32, #tpu.memory_space<hbm>> -> memref<1x40x125xi32, #tpu.memory_space<hbm>>
      %dma_start3A_44 = tpu.memref_squeeze %dma_start3A_43 : memref<1x40x125xi32, #tpu.memory_space<hbm>> -> memref<40x125xi32, #tpu.memory_space<hbm>>
      tpu.enqueue_dma source(%dma_start3A_44 : memref<40x125xi32, #tpu.memory_space<hbm>>) target(%arg8 : memref<40x125xi32, #tpu.memory_space<vmem>>) target_semaphore(%run_scoped3A : memref<!tpu.dma_semaphore, #tpu.memory_space<semaphore_mem>>)
      %dma_wait3A = arith.constant 0 : i32
      %dma_wait3A_45 = arith.constant 0 : i32
      %dma_wait3A_46 = tpu.memref_slice %arg4[%add3A, %dma_wait3A, %dma_wait3A_45] : memref<32x80x125xi32, #tpu.memory_space<hbm>> -> memref<1x40x125xi32, #tpu.memory_space<hbm>>
      %dma_wait3A_47 = tpu.memref_squeeze %dma_wait3A_46 : memref<1x40x125xi32, #tpu.memory_space<hbm>> -> memref<40x125xi32, #tpu.memory_space<hbm>>
      %dma_wait3A_48 = arith.constant 0 : i32
      %dma_wait3A_49 = arith.constant 0 : i32
      %dma_wait3A_50 = tpu.memref_slice %arg4[%add3A, %dma_wait3A_48, %dma_wait3A_49] : memref<32x80x125xi32, #tpu.memory_space<hbm>> -> memref<1x40x125xi32, #tpu.memory_space<hbm>>
      %dma_wait3A_51 = tpu.memref_squeeze %dma_wait3A_50 : memref<1x40x125xi32, #tpu.memory_space<hbm>> -> memref<40x125xi32, #tpu.memory_space<hbm>>
      tpu.wait_dma2 semaphore(%run_scoped3A : memref<!tpu.dma_semaphore, #tpu.memory_space<semaphore_mem>>) src(%dma_wait3A_51 : memref<40x125xi32, #tpu.memory_space<hbm>>) dst(%arg8 : memref<40x125xi32, #tpu.memory_space<vmem>>)
      tpu.yield
    }) : () -> ()
    %dma_start3A = arith.constant 0 : i32
    %dma_start3A_1 = arith.constant 0 : i32
    %dma_start3A_2 = tpu.memref_slice %arg7[%dma_start3A, %dma_start3A_1] : memref<40x125xi32, #tpu.memory_space<vmem>> -> memref<1x125xi32, #tpu.memory_space<vmem>>
    %dma_start3A_3 = tpu.memref_squeeze %dma_start3A_2 : memref<1x125xi32, #tpu.memory_space<vmem>> -> memref<125xi32, #tpu.memory_space<vmem>>
    %dma_start3A_4 = arith.constant 0 : i32
    %dma_start3A_5 = arith.constant 0 : i32
    %dma_start3A_6 = tpu.memref_slice %arg2[%dma_start3A_4, %dma_start3A_5] : memref<10000x128xf32, #tpu.memory_space<hbm>> -> memref<10000x128xf32, #tpu.memory_space<hbm>>
    tpu.enqueue_indirect_dma source(%dma_start3A_6 : memref<10000x128xf32, #tpu.memory_space<hbm>>) target(%arg9 : memref<125x128xf32, #tpu.memory_space<vmem>>) offsets(%dma_start3A_3 : memref<125xi32, #tpu.memory_space<vmem>>) semaphore(%arg12 : memref<!tpu.dma_semaphore, #tpu.memory_space<semaphore_mem>>)
    %mul3A_7 = arith.constant 624 : i32
    %mul3A_8 = arith.muli %arg1, %mul3A_7 : i32
    "tpu.region"() ({
      %run_scoped3A = tpu.sem_alloc : memref<!tpu.dma_semaphore, #tpu.memory_space<semaphore_mem>>
      %dma_start3A_37 = arith.constant 0 : i32
      %dma_start3A_38 = tpu.memref_slice %arg11[%mul3A_8, %dma_start3A_37] : memref<10000x128xf32, #tpu.memory_space<vmem_shared>> -> memref<624x128xf32, #tpu.memory_space<vmem_shared>>
      %dma_start3A_39 = arith.constant 0 : i32
      %dma_start3A_40 = tpu.memref_slice %arg5[%mul3A_8, %dma_start3A_39] : memref<10000x128xf32, #tpu.memory_space<hbm>> -> memref<624x128xf32, #tpu.memory_space<hbm>>
      tpu.enqueue_dma source(%dma_start3A_40 : memref<624x128xf32, #tpu.memory_space<hbm>>) target(%dma_start3A_38 : memref<624x128xf32, #tpu.memory_space<vmem_shared>>) target_semaphore(%run_scoped3A : memref<!tpu.dma_semaphore, #tpu.memory_space<semaphore_mem>>)
      %dma_wait3A = arith.constant 0 : i32
      %dma_wait3A_41 = tpu.memref_slice %arg11[%mul3A_8, %dma_wait3A] : memref<10000x128xf32, #tpu.memory_space<vmem_shared>> -> memref<624x128xf32, #tpu.memory_space<vmem_shared>>
      %dma_wait3A_42 = arith.constant 0 : i32
      %dma_wait3A_43 = tpu.memref_slice %arg5[%mul3A_8, %dma_wait3A_42] : memref<10000x128xf32, #tpu.memory_space<hbm>> -> memref<624x128xf32, #tpu.memory_space<hbm>>
      tpu.wait_dma2 semaphore(%run_scoped3A : memref<!tpu.dma_semaphore, #tpu.memory_space<semaphore_mem>>) src(%dma_wait3A_43 : memref<624x128xf32, #tpu.memory_space<hbm>>) dst(%dma_wait3A_41 : memref<624x128xf32, #tpu.memory_space<vmem_shared>>)
      tpu.yield
    }) : () -> ()
    %eq3A = arith.constant 15 : i32
    %eq3A_9 = arith.cmpi eq, %arg1, %eq3A : i32
    %convert_element_type3A = arith.extui %eq3A_9 : i1 to i32
    %cond3A = arith.constant 0 : i32
    %cond3A_10 = arith.cmpi ne, %convert_element_type3A, %cond3A : i32
    scf.if %cond3A_10 {
      "tpu.region"() ({
        %run_scoped3A = tpu.sem_alloc : memref<!tpu.dma_semaphore, #tpu.memory_space<semaphore_mem>>
        %dma_start3A_37 = arith.constant 9984 : i32
        %dma_start3A_38 = arith.constant 0 : i32
        %dma_start3A_39 = tpu.memref_slice %arg11[%dma_start3A_37, %dma_start3A_38] : memref<10000x128xf32, #tpu.memory_space<vmem_shared>> -> memref<16x128xf32, #tpu.memory_space<vmem_shared>>
        %dma_start3A_40 = arith.constant 9984 : i32
        %dma_start3A_41 = arith.constant 0 : i32
        %dma_start3A_42 = tpu.memref_slice %arg5[%dma_start3A_40, %dma_start3A_41] : memref<10000x128xf32, #tpu.memory_space<hbm>> -> memref<16x128xf32, #tpu.memory_space<hbm>>
        tpu.enqueue_dma source(%dma_start3A_42 : memref<16x128xf32, #tpu.memory_space<hbm>>) target(%dma_start3A_39 : memref<16x128xf32, #tpu.memory_space<vmem_shared>>) target_semaphore(%run_scoped3A : memref<!tpu.dma_semaphore, #tpu.memory_space<semaphore_mem>>)
        %dma_wait3A = arith.constant 9984 : i32
        %dma_wait3A_43 = arith.constant 0 : i32
        %dma_wait3A_44 = tpu.memref_slice %arg11[%dma_wait3A, %dma_wait3A_43] : memref<10000x128xf32, #tpu.memory_space<vmem_shared>> -> memref<16x128xf32, #tpu.memory_space<vmem_shared>>
        %dma_wait3A_45 = arith.constant 9984 : i32
        %dma_wait3A_46 = arith.constant 0 : i32
        %dma_wait3A_47 = tpu.memref_slice %arg5[%dma_wait3A_45, %dma_wait3A_46] : memref<10000x128xf32, #tpu.memory_space<hbm>> -> memref<16x128xf32, #tpu.memory_space<hbm>>
        tpu.wait_dma2 semaphore(%run_scoped3A : memref<!tpu.dma_semaphore, #tpu.memory_space<semaphore_mem>>) src(%dma_wait3A_47 : memref<16x128xf32, #tpu.memory_space<hbm>>) dst(%dma_wait3A_44 : memref<16x128xf32, #tpu.memory_space<vmem_shared>>)
        tpu.yield
      }) : () -> ()
    } else {
    }
    %barrier3A = arith.constant 0 : index
    tpu.barrier barrier_id(%barrier3A)
    %scan3A = arith.constant 0 : i32
    %scan3A_11 = arith.constant 0 : i32
    %scan3A_12 = arith.constant 20 : i32
    %scan3A_13 = arith.addi %scan3A_11, %scan3A_12 : i32
    %scan3A_14 = arith.constant 1 : i32
    scf.for %scan3A_37 = %scan3A_11 to %scan3A_13 step %scan3A_14  : i32 {
      %mul3A_38 = arith.constant 2 : i32
      %mul3A_39 = arith.muli %scan3A_37, %mul3A_38 : i32
      %add3A_40 = arith.constant 1 : i32
      %add3A_41 = arith.addi %mul3A_39, %add3A_40 : i32
      %dma_start3A_42 = arith.constant 0 : i32
      %dma_start3A_43 = tpu.memref_slice %arg7[%add3A_41, %dma_start3A_42] : memref<40x125xi32, #tpu.memory_space<vmem>> -> memref<1x125xi32, #tpu.memory_space<vmem>>
      %dma_start3A_44 = tpu.memref_squeeze %dma_start3A_43 : memref<1x125xi32, #tpu.memory_space<vmem>> -> memref<125xi32, #tpu.memory_space<vmem>>
      %dma_start3A_45 = arith.constant 0 : i32
      %dma_start3A_46 = arith.constant 0 : i32
      %dma_start3A_47 = tpu.memref_slice %arg2[%dma_start3A_45, %dma_start3A_46] : memref<10000x128xf32, #tpu.memory_space<hbm>> -> memref<10000x128xf32, #tpu.memory_space<hbm>>
      tpu.enqueue_indirect_dma source(%dma_start3A_47 : memref<10000x128xf32, #tpu.memory_space<hbm>>) target(%arg10 : memref<125x128xf32, #tpu.memory_space<vmem>>) offsets(%dma_start3A_44 : memref<125xi32, #tpu.memory_space<vmem>>) semaphore(%arg13 : memref<!tpu.dma_semaphore, #tpu.memory_space<semaphore_mem>>)
      %dma_wait3A = arith.constant 0 : i32
      %dma_wait3A_48 = tpu.memref_slice %arg7[%mul3A_39, %dma_wait3A] : memref<40x125xi32, #tpu.memory_space<vmem>> -> memref<1x125xi32, #tpu.memory_space<vmem>>
      %dma_wait3A_49 = tpu.memref_squeeze %dma_wait3A_48 : memref<1x125xi32, #tpu.memory_space<vmem>> -> memref<125xi32, #tpu.memory_space<vmem>>
      %dma_wait3A_50 = arith.constant 0 : i32
      %dma_wait3A_51 = arith.constant 0 : i32
      %dma_wait3A_52 = tpu.memref_slice %arg2[%dma_wait3A_50, %dma_wait3A_51] : memref<10000x128xf32, #tpu.memory_space<hbm>> -> memref<10000x128xf32, #tpu.memory_space<hbm>>
      tpu.wait_indirect_dma semaphore(%arg12 : memref<!tpu.dma_semaphore, #tpu.memory_space<semaphore_mem>>) src(%dma_wait3A_52 : memref<10000x128xf32, #tpu.memory_space<hbm>>) dst(%arg9 : memref<125x128xf32, #tpu.memory_space<vmem>>)
      "tpu.region"() ({
        %run_scoped3A = tpu.sem_alloc : memref<!tpu.dma_semaphore, #tpu.memory_space<semaphore_mem>>
        %dma_start3A_67 = arith.constant 0 : i32
        %dma_start3A_68 = tpu.memref_slice %arg8[%mul3A_39, %dma_start3A_67] : memref<40x125xi32, #tpu.memory_space<vmem>> -> memref<1x125xi32, #tpu.memory_space<vmem>>
        %dma_start3A_69 = tpu.memref_squeeze %dma_start3A_68 : memref<1x125xi32, #tpu.memory_space<vmem>> -> memref<125xi32, #tpu.memory_space<vmem>>
        %dma_start3A_70 = arith.constant 0 : i32
        %dma_start3A_71 = arith.constant 0 : i32
        %dma_start3A_72 = tpu.memref_slice %arg11[%dma_start3A_70, %dma_start3A_71] : memref<10000x128xf32, #tpu.memory_space<vmem_shared>> -> memref<10000x128xf32, #tpu.memory_space<vmem_shared>>
        tpu.enqueue_indirect_dma source(%arg9 : memref<125x128xf32, #tpu.memory_space<vmem>>) target(%dma_start3A_72 : memref<10000x128xf32, #tpu.memory_space<vmem_shared>>) offsets(%dma_start3A_69 : memref<125xi32, #tpu.memory_space<vmem>>) semaphore(%run_scoped3A : memref<!tpu.dma_semaphore, #tpu.memory_space<semaphore_mem>>) {add = true}
        %dma_wait3A_73 = arith.constant 0 : i32
        %dma_wait3A_74 = tpu.memref_slice %arg8[%mul3A_39, %dma_wait3A_73] : memref<40x125xi32, #tpu.memory_space<vmem>> -> memref<1x125xi32, #tpu.memory_space<vmem>>
        %dma_wait3A_75 = tpu.memref_squeeze %dma_wait3A_74 : memref<1x125xi32, #tpu.memory_space<vmem>> -> memref<125xi32, #tpu.memory_space<vmem>>
        %dma_wait3A_76 = arith.constant 0 : i32
        %dma_wait3A_77 = arith.constant 0 : i32
        %dma_wait3A_78 = tpu.memref_slice %arg11[%dma_wait3A_76, %dma_wait3A_77] : memref<10000x128xf32, #tpu.memory_space<vmem_shared>> -> memref<10000x128xf32, #tpu.memory_space<vmem_shared>>
        tpu.wait_indirect_dma semaphore(%run_scoped3A : memref<!tpu.dma_semaphore, #tpu.memory_space<semaphore_mem>>) src(%arg9 : memref<125x128xf32, #tpu.memory_space<vmem>>) dst(%dma_wait3A_78 : memref<10000x128xf32, #tpu.memory_space<vmem_shared>>)
        tpu.yield
      }) : () -> ()
      %lt3A = arith.constant 19 : i32
      %lt3A_53 = arith.cmpi slt, %scan3A_37, %lt3A : i32
      %convert_element_type3A_54 = arith.extui %lt3A_53 : i1 to i32
      %cond3A_55 = arith.constant 0 : i32
      %cond3A_56 = arith.cmpi ne, %convert_element_type3A_54, %cond3A_55 : i32
      scf.if %cond3A_56 {
        %add3A_67 = arith.constant 2 : i32
        %add3A_68 = arith.addi %mul3A_39, %add3A_67 : i32
        %dma_start3A_69 = arith.constant 0 : i32
        %dma_start3A_70 = tpu.memref_slice %arg7[%add3A_68, %dma_start3A_69] : memref<40x125xi32, #tpu.memory_space<vmem>> -> memref<1x125xi32, #tpu.memory_space<vmem>>
        %dma_start3A_71 = tpu.memref_squeeze %dma_start3A_70 : memref<1x125xi32, #tpu.memory_space<vmem>> -> memref<125xi32, #tpu.memory_space<vmem>>
        %dma_start3A_72 = arith.constant 0 : i32
        %dma_start3A_73 = arith.constant 0 : i32
        %dma_start3A_74 = tpu.memref_slice %arg2[%dma_start3A_72, %dma_start3A_73] : memref<10000x128xf32, #tpu.memory_space<hbm>> -> memref<10000x128xf32, #tpu.memory_space<hbm>>
        tpu.enqueue_indirect_dma source(%dma_start3A_74 : memref<10000x128xf32, #tpu.memory_space<hbm>>) target(%arg9 : memref<125x128xf32, #tpu.memory_space<vmem>>) offsets(%dma_start3A_71 : memref<125xi32, #tpu.memory_space<vmem>>) semaphore(%arg12 : memref<!tpu.dma_semaphore, #tpu.memory_space<semaphore_mem>>)
      } else {
      }
      %add3A_57 = arith.constant 1 : i32
      %add3A_58 = arith.addi %mul3A_39, %add3A_57 : i32
      %dma_wait3A_59 = arith.constant 0 : i32
      %dma_wait3A_60 = tpu.memref_slice %arg7[%add3A_58, %dma_wait3A_59] : memref<40x125xi32, #tpu.memory_space<vmem>> -> memref<1x125xi32, #tpu.memory_space<vmem>>
      %dma_wait3A_61 = tpu.memref_squeeze %dma_wait3A_60 : memref<1x125xi32, #tpu.memory_space<vmem>> -> memref<125xi32, #tpu.memory_space<vmem>>
      %dma_wait3A_62 = arith.constant 0 : i32
      %dma_wait3A_63 = arith.constant 0 : i32
      %dma_wait3A_64 = tpu.memref_slice %arg2[%dma_wait3A_62, %dma_wait3A_63] : memref<10000x128xf32, #tpu.memory_space<hbm>> -> memref<10000x128xf32, #tpu.memory_space<hbm>>
      tpu.wait_indirect_dma semaphore(%arg13 : memref<!tpu.dma_semaphore, #tpu.memory_space<semaphore_mem>>) src(%dma_wait3A_64 : memref<10000x128xf32, #tpu.memory_space<hbm>>) dst(%arg10 : memref<125x128xf32, #tpu.memory_space<vmem>>)
      %add3A_65 = arith.constant 1 : i32
      %add3A_66 = arith.addi %mul3A_39, %add3A_65 : i32
      "tpu.region"() ({
        %run_scoped3A = tpu.sem_alloc : memref<!tpu.dma_semaphore, #tpu.memory_space<semaphore_mem>>
        %dma_start3A_67 = arith.constant 0 : i32
        %dma_start3A_68 = tpu.memref_slice %arg8[%add3A_66, %dma_start3A_67] : memref<40x125xi32, #tpu.memory_space<vmem>> -> memref<1x125xi32, #tpu.memory_space<vmem>>
        %dma_start3A_69 = tpu.memref_squeeze %dma_start3A_68 : memref<1x125xi32, #tpu.memory_space<vmem>> -> memref<125xi32, #tpu.memory_space<vmem>>
        %dma_start3A_70 = arith.constant 0 : i32
        %dma_start3A_71 = arith.constant 0 : i32
        %dma_start3A_72 = tpu.memref_slice %arg11[%dma_start3A_70, %dma_start3A_71] : memref<10000x128xf32, #tpu.memory_space<vmem_shared>> -> memref<10000x128xf32, #tpu.memory_space<vmem_shared>>
        tpu.enqueue_indirect_dma source(%arg10 : memref<125x128xf32, #tpu.memory_space<vmem>>) target(%dma_start3A_72 : memref<10000x128xf32, #tpu.memory_space<vmem_shared>>) offsets(%dma_start3A_69 : memref<125xi32, #tpu.memory_space<vmem>>) semaphore(%run_scoped3A : memref<!tpu.dma_semaphore, #tpu.memory_space<semaphore_mem>>) {add = true}
        %dma_wait3A_73 = arith.constant 0 : i32
        %dma_wait3A_74 = tpu.memref_slice %arg8[%add3A_66, %dma_wait3A_73] : memref<40x125xi32, #tpu.memory_space<vmem>> -> memref<1x125xi32, #tpu.memory_space<vmem>>
        %dma_wait3A_75 = tpu.memref_squeeze %dma_wait3A_74 : memref<1x125xi32, #tpu.memory_space<vmem>> -> memref<125xi32, #tpu.memory_space<vmem>>
        %dma_wait3A_76 = arith.constant 0 : i32
        %dma_wait3A_77 = arith.constant 0 : i32
        %dma_wait3A_78 = tpu.memref_slice %arg11[%dma_wait3A_76, %dma_wait3A_77] : memref<10000x128xf32, #tpu.memory_space<vmem_shared>> -> memref<10000x128xf32, #tpu.memory_space<vmem_shared>>
        tpu.wait_indirect_dma semaphore(%run_scoped3A : memref<!tpu.dma_semaphore, #tpu.memory_space<semaphore_mem>>) src(%arg10 : memref<125x128xf32, #tpu.memory_space<vmem>>) dst(%dma_wait3A_78 : memref<10000x128xf32, #tpu.memory_space<vmem_shared>>)
        tpu.yield
      }) : () -> ()
    }
    %scan3A_15 = arith.constant 20 : i32
    "tpu.region"() ({
      %run_scoped3A = tpu.sem_alloc : memref<!tpu.dma_semaphore, #tpu.memory_space<semaphore_mem>>
      %dma_start3A_37 = arith.constant 40 : i32
      %dma_start3A_38 = arith.constant 0 : i32
      %dma_start3A_39 = tpu.memref_slice %arg3[%add3A, %dma_start3A_37, %dma_start3A_38] : memref<32x80x125xi32, #tpu.memory_space<hbm>> -> memref<1x40x125xi32, #tpu.memory_space<hbm>>
      %dma_start3A_40 = tpu.memref_squeeze %dma_start3A_39 : memref<1x40x125xi32, #tpu.memory_space<hbm>> -> memref<40x125xi32, #tpu.memory_space<hbm>>
      %dma_start3A_41 = arith.constant 40 : i32
      %dma_start3A_42 = arith.constant 0 : i32
      %dma_start3A_43 = tpu.memref_slice %arg3[%add3A, %dma_start3A_41, %dma_start3A_42] : memref<32x80x125xi32, #tpu.memory_space<hbm>> -> memref<1x40x125xi32, #tpu.memory_space<hbm>>
      %dma_start3A_44 = tpu.memref_squeeze %dma_start3A_43 : memref<1x40x125xi32, #tpu.memory_space<hbm>> -> memref<40x125xi32, #tpu.memory_space<hbm>>
      tpu.enqueue_dma source(%dma_start3A_44 : memref<40x125xi32, #tpu.memory_space<hbm>>) target(%arg7 : memref<40x125xi32, #tpu.memory_space<vmem>>) target_semaphore(%run_scoped3A : memref<!tpu.dma_semaphore, #tpu.memory_space<semaphore_mem>>)
      %dma_wait3A = arith.constant 40 : i32
      %dma_wait3A_45 = arith.constant 0 : i32
      %dma_wait3A_46 = tpu.memref_slice %arg3[%add3A, %dma_wait3A, %dma_wait3A_45] : memref<32x80x125xi32, #tpu.memory_space<hbm>> -> memref<1x40x125xi32, #tpu.memory_space<hbm>>
      %dma_wait3A_47 = tpu.memref_squeeze %dma_wait3A_46 : memref<1x40x125xi32, #tpu.memory_space<hbm>> -> memref<40x125xi32, #tpu.memory_space<hbm>>
      %dma_wait3A_48 = arith.constant 40 : i32
      %dma_wait3A_49 = arith.constant 0 : i32
      %dma_wait3A_50 = tpu.memref_slice %arg3[%add3A, %dma_wait3A_48, %dma_wait3A_49] : memref<32x80x125xi32, #tpu.memory_space<hbm>> -> memref<1x40x125xi32, #tpu.memory_space<hbm>>
      %dma_wait3A_51 = tpu.memref_squeeze %dma_wait3A_50 : memref<1x40x125xi32, #tpu.memory_space<hbm>> -> memref<40x125xi32, #tpu.memory_space<hbm>>
      tpu.wait_dma2 semaphore(%run_scoped3A : memref<!tpu.dma_semaphore, #tpu.memory_space<semaphore_mem>>) src(%dma_wait3A_51 : memref<40x125xi32, #tpu.memory_space<hbm>>) dst(%arg7 : memref<40x125xi32, #tpu.memory_space<vmem>>)
      tpu.yield
    }) : () -> ()
    "tpu.region"() ({
      %run_scoped3A = tpu.sem_alloc : memref<!tpu.dma_semaphore, #tpu.memory_space<semaphore_mem>>
      %dma_start3A_37 = arith.constant 40 : i32
      %dma_start3A_38 = arith.constant 0 : i32
      %dma_start3A_39 = tpu.memref_slice %arg4[%add3A, %dma_start3A_37, %dma_start3A_38] : memref<32x80x125xi32, #tpu.memory_space<hbm>> -> memref<1x40x125xi32, #tpu.memory_space<hbm>>
      %dma_start3A_40 = tpu.memref_squeeze %dma_start3A_39 : memref<1x40x125xi32, #tpu.memory_space<hbm>> -> memref<40x125xi32, #tpu.memory_space<hbm>>
      %dma_start3A_41 = arith.constant 40 : i32
      %dma_start3A_42 = arith.constant 0 : i32
      %dma_start3A_43 = tpu.memref_slice %arg4[%add3A, %dma_start3A_41, %dma_start3A_42] : memref<32x80x125xi32, #tpu.memory_space<hbm>> -> memref<1x40x125xi32, #tpu.memory_space<hbm>>
      %dma_start3A_44 = tpu.memref_squeeze %dma_start3A_43 : memref<1x40x125xi32, #tpu.memory_space<hbm>> -> memref<40x125xi32, #tpu.memory_space<hbm>>
      tpu.enqueue_dma source(%dma_start3A_44 : memref<40x125xi32, #tpu.memory_space<hbm>>) target(%arg8 : memref<40x125xi32, #tpu.memory_space<vmem>>) target_semaphore(%run_scoped3A : memref<!tpu.dma_semaphore, #tpu.memory_space<semaphore_mem>>)
      %dma_wait3A = arith.constant 40 : i32
      %dma_wait3A_45 = arith.constant 0 : i32
      %dma_wait3A_46 = tpu.memref_slice %arg4[%add3A, %dma_wait3A, %dma_wait3A_45] : memref<32x80x125xi32, #tpu.memory_space<hbm>> -> memref<1x40x125xi32, #tpu.memory_space<hbm>>
      %dma_wait3A_47 = tpu.memref_squeeze %dma_wait3A_46 : memref<1x40x125xi32, #tpu.memory_space<hbm>> -> memref<40x125xi32, #tpu.memory_space<hbm>>
      %dma_wait3A_48 = arith.constant 40 : i32
      %dma_wait3A_49 = arith.constant 0 : i32
      %dma_wait3A_50 = tpu.memref_slice %arg4[%add3A, %dma_wait3A_48, %dma_wait3A_49] : memref<32x80x125xi32, #tpu.memory_space<hbm>> -> memref<1x40x125xi32, #tpu.memory_space<hbm>>
      %dma_wait3A_51 = tpu.memref_squeeze %dma_wait3A_50 : memref<1x40x125xi32, #tpu.memory_space<hbm>> -> memref<40x125xi32, #tpu.memory_space<hbm>>
      tpu.wait_dma2 semaphore(%run_scoped3A : memref<!tpu.dma_semaphore, #tpu.memory_space<semaphore_mem>>) src(%dma_wait3A_51 : memref<40x125xi32, #tpu.memory_space<hbm>>) dst(%arg8 : memref<40x125xi32, #tpu.memory_space<vmem>>)
      tpu.yield
    }) : () -> ()
    %dma_start3A_16 = arith.constant 0 : i32
    %dma_start3A_17 = arith.constant 0 : i32
    %dma_start3A_18 = tpu.memref_slice %arg7[%dma_start3A_16, %dma_start3A_17] : memref<40x125xi32, #tpu.memory_space<vmem>> -> memref<1x125xi32, #tpu.memory_space<vmem>>
    %dma_start3A_19 = tpu.memref_squeeze %dma_start3A_18 : memref<1x125xi32, #tpu.memory_space<vmem>> -> memref<125xi32, #tpu.memory_space<vmem>>
    %dma_start3A_20 = arith.constant 0 : i32
    %dma_start3A_21 = arith.constant 0 : i32
    %dma_start3A_22 = tpu.memref_slice %arg2[%dma_start3A_20, %dma_start3A_21] : memref<10000x128xf32, #tpu.memory_space<hbm>> -> memref<10000x128xf32, #tpu.memory_space<hbm>>
    tpu.enqueue_indirect_dma source(%dma_start3A_22 : memref<10000x128xf32, #tpu.memory_space<hbm>>) target(%arg9 : memref<125x128xf32, #tpu.memory_space<vmem>>) offsets(%dma_start3A_19 : memref<125xi32, #tpu.memory_space<vmem>>) semaphore(%arg12 : memref<!tpu.dma_semaphore, #tpu.memory_space<semaphore_mem>>)
    %scan3A_23 = arith.constant 0 : i32
    %scan3A_24 = arith.constant 0 : i32
    %scan3A_25 = arith.constant 20 : i32
    %scan3A_26 = arith.addi %scan3A_24, %scan3A_25 : i32
    %scan3A_27 = arith.constant 1 : i32
    scf.for %scan3A_37 = %scan3A_24 to %scan3A_26 step %scan3A_27  : i32 {
      %mul3A_38 = arith.constant 2 : i32
      %mul3A_39 = arith.muli %scan3A_37, %mul3A_38 : i32
      %add3A_40 = arith.constant 1 : i32
      %add3A_41 = arith.addi %mul3A_39, %add3A_40 : i32
      %dma_start3A_42 = arith.constant 0 : i32
      %dma_start3A_43 = tpu.memref_slice %arg7[%add3A_41, %dma_start3A_42] : memref<40x125xi32, #tpu.memory_space<vmem>> -> memref<1x125xi32, #tpu.memory_space<vmem>>
      %dma_start3A_44 = tpu.memref_squeeze %dma_start3A_43 : memref<1x125xi32, #tpu.memory_space<vmem>> -> memref<125xi32, #tpu.memory_space<vmem>>
      %dma_start3A_45 = arith.constant 0 : i32
      %dma_start3A_46 = arith.constant 0 : i32
      %dma_start3A_47 = tpu.memref_slice %arg2[%dma_start3A_45, %dma_start3A_46] : memref<10000x128xf32, #tpu.memory_space<hbm>> -> memref<10000x128xf32, #tpu.memory_space<hbm>>
      tpu.enqueue_indirect_dma source(%dma_start3A_47 : memref<10000x128xf32, #tpu.memory_space<hbm>>) target(%arg10 : memref<125x128xf32, #tpu.memory_space<vmem>>) offsets(%dma_start3A_44 : memref<125xi32, #tpu.memory_space<vmem>>) semaphore(%arg13 : memref<!tpu.dma_semaphore, #tpu.memory_space<semaphore_mem>>)
      %dma_wait3A = arith.constant 0 : i32
      %dma_wait3A_48 = tpu.memref_slice %arg7[%mul3A_39, %dma_wait3A] : memref<40x125xi32, #tpu.memory_space<vmem>> -> memref<1x125xi32, #tpu.memory_space<vmem>>
      %dma_wait3A_49 = tpu.memref_squeeze %dma_wait3A_48 : memref<1x125xi32, #tpu.memory_space<vmem>> -> memref<125xi32, #tpu.memory_space<vmem>>
      %dma_wait3A_50 = arith.constant 0 : i32
      %dma_wait3A_51 = arith.constant 0 : i32
      %dma_wait3A_52 = tpu.memref_slice %arg2[%dma_wait3A_50, %dma_wait3A_51] : memref<10000x128xf32, #tpu.memory_space<hbm>> -> memref<10000x128xf32, #tpu.memory_space<hbm>>
      tpu.wait_indirect_dma semaphore(%arg12 : memref<!tpu.dma_semaphore, #tpu.memory_space<semaphore_mem>>) src(%dma_wait3A_52 : memref<10000x128xf32, #tpu.memory_space<hbm>>) dst(%arg9 : memref<125x128xf32, #tpu.memory_space<vmem>>)
      "tpu.region"() ({
        %run_scoped3A = tpu.sem_alloc : memref<!tpu.dma_semaphore, #tpu.memory_space<semaphore_mem>>
        %dma_start3A_67 = arith.constant 0 : i32
        %dma_start3A_68 = tpu.memref_slice %arg8[%mul3A_39, %dma_start3A_67] : memref<40x125xi32, #tpu.memory_space<vmem>> -> memref<1x125xi32, #tpu.memory_space<vmem>>
        %dma_start3A_69 = tpu.memref_squeeze %dma_start3A_68 : memref<1x125xi32, #tpu.memory_space<vmem>> -> memref<125xi32, #tpu.memory_space<vmem>>
        %dma_start3A_70 = arith.constant 0 : i32
        %dma_start3A_71 = arith.constant 0 : i32
        %dma_start3A_72 = tpu.memref_slice %arg11[%dma_start3A_70, %dma_start3A_71] : memref<10000x128xf32, #tpu.memory_space<vmem_shared>> -> memref<10000x128xf32, #tpu.memory_space<vmem_shared>>
        tpu.enqueue_indirect_dma source(%arg9 : memref<125x128xf32, #tpu.memory_space<vmem>>) target(%dma_start3A_72 : memref<10000x128xf32, #tpu.memory_space<vmem_shared>>) offsets(%dma_start3A_69 : memref<125xi32, #tpu.memory_space<vmem>>) semaphore(%run_scoped3A : memref<!tpu.dma_semaphore, #tpu.memory_space<semaphore_mem>>) {add = true}
        %dma_wait3A_73 = arith.constant 0 : i32
        %dma_wait3A_74 = tpu.memref_slice %arg8[%mul3A_39, %dma_wait3A_73] : memref<40x125xi32, #tpu.memory_space<vmem>> -> memref<1x125xi32, #tpu.memory_space<vmem>>
        %dma_wait3A_75 = tpu.memref_squeeze %dma_wait3A_74 : memref<1x125xi32, #tpu.memory_space<vmem>> -> memref<125xi32, #tpu.memory_space<vmem>>
        %dma_wait3A_76 = arith.constant 0 : i32
        %dma_wait3A_77 = arith.constant 0 : i32
        %dma_wait3A_78 = tpu.memref_slice %arg11[%dma_wait3A_76, %dma_wait3A_77] : memref<10000x128xf32, #tpu.memory_space<vmem_shared>> -> memref<10000x128xf32, #tpu.memory_space<vmem_shared>>
        tpu.wait_indirect_dma semaphore(%run_scoped3A : memref<!tpu.dma_semaphore, #tpu.memory_space<semaphore_mem>>) src(%arg9 : memref<125x128xf32, #tpu.memory_space<vmem>>) dst(%dma_wait3A_78 : memref<10000x128xf32, #tpu.memory_space<vmem_shared>>)
        tpu.yield
      }) : () -> ()
      %lt3A = arith.constant 19 : i32
      %lt3A_53 = arith.cmpi slt, %scan3A_37, %lt3A : i32
      %convert_element_type3A_54 = arith.extui %lt3A_53 : i1 to i32
      %cond3A_55 = arith.constant 0 : i32
      %cond3A_56 = arith.cmpi ne, %convert_element_type3A_54, %cond3A_55 : i32
      scf.if %cond3A_56 {
        %add3A_67 = arith.constant 2 : i32
        %add3A_68 = arith.addi %mul3A_39, %add3A_67 : i32
        %dma_start3A_69 = arith.constant 0 : i32
        %dma_start3A_70 = tpu.memref_slice %arg7[%add3A_68, %dma_start3A_69] : memref<40x125xi32, #tpu.memory_space<vmem>> -> memref<1x125xi32, #tpu.memory_space<vmem>>
        %dma_start3A_71 = tpu.memref_squeeze %dma_start3A_70 : memref<1x125xi32, #tpu.memory_space<vmem>> -> memref<125xi32, #tpu.memory_space<vmem>>
        %dma_start3A_72 = arith.constant 0 : i32
        %dma_start3A_73 = arith.constant 0 : i32
        %dma_start3A_74 = tpu.memref_slice %arg2[%dma_start3A_72, %dma_start3A_73] : memref<10000x128xf32, #tpu.memory_space<hbm>> -> memref<10000x128xf32, #tpu.memory_space<hbm>>
        tpu.enqueue_indirect_dma source(%dma_start3A_74 : memref<10000x128xf32, #tpu.memory_space<hbm>>) target(%arg9 : memref<125x128xf32, #tpu.memory_space<vmem>>) offsets(%dma_start3A_71 : memref<125xi32, #tpu.memory_space<vmem>>) semaphore(%arg12 : memref<!tpu.dma_semaphore, #tpu.memory_space<semaphore_mem>>)
      } else {
      }
      %add3A_57 = arith.constant 1 : i32
      %add3A_58 = arith.addi %mul3A_39, %add3A_57 : i32
      %dma_wait3A_59 = arith.constant 0 : i32
      %dma_wait3A_60 = tpu.memref_slice %arg7[%add3A_58, %dma_wait3A_59] : memref<40x125xi32, #tpu.memory_space<vmem>> -> memref<1x125xi32, #tpu.memory_space<vmem>>
      %dma_wait3A_61 = tpu.memref_squeeze %dma_wait3A_60 : memref<1x125xi32, #tpu.memory_space<vmem>> -> memref<125xi32, #tpu.memory_space<vmem>>
      %dma_wait3A_62 = arith.constant 0 : i32
      %dma_wait3A_63 = arith.constant 0 : i32
      %dma_wait3A_64 = tpu.memref_slice %arg2[%dma_wait3A_62, %dma_wait3A_63] : memref<10000x128xf32, #tpu.memory_space<hbm>> -> memref<10000x128xf32, #tpu.memory_space<hbm>>
      tpu.wait_indirect_dma semaphore(%arg13 : memref<!tpu.dma_semaphore, #tpu.memory_space<semaphore_mem>>) src(%dma_wait3A_64 : memref<10000x128xf32, #tpu.memory_space<hbm>>) dst(%arg10 : memref<125x128xf32, #tpu.memory_space<vmem>>)
      %add3A_65 = arith.constant 1 : i32
      %add3A_66 = arith.addi %mul3A_39, %add3A_65 : i32
      "tpu.region"() ({
        %run_scoped3A = tpu.sem_alloc : memref<!tpu.dma_semaphore, #tpu.memory_space<semaphore_mem>>
        %dma_start3A_67 = arith.constant 0 : i32
        %dma_start3A_68 = tpu.memref_slice %arg8[%add3A_66, %dma_start3A_67] : memref<40x125xi32, #tpu.memory_space<vmem>> -> memref<1x125xi32, #tpu.memory_space<vmem>>
        %dma_start3A_69 = tpu.memref_squeeze %dma_start3A_68 : memref<1x125xi32, #tpu.memory_space<vmem>> -> memref<125xi32, #tpu.memory_space<vmem>>
        %dma_start3A_70 = arith.constant 0 : i32
        %dma_start3A_71 = arith.constant 0 : i32
        %dma_start3A_72 = tpu.memref_slice %arg11[%dma_start3A_70, %dma_start3A_71] : memref<10000x128xf32, #tpu.memory_space<vmem_shared>> -> memref<10000x128xf32, #tpu.memory_space<vmem_shared>>
        tpu.enqueue_indirect_dma source(%arg10 : memref<125x128xf32, #tpu.memory_space<vmem>>) target(%dma_start3A_72 : memref<10000x128xf32, #tpu.memory_space<vmem_shared>>) offsets(%dma_start3A_69 : memref<125xi32, #tpu.memory_space<vmem>>) semaphore(%run_scoped3A : memref<!tpu.dma_semaphore, #tpu.memory_space<semaphore_mem>>) {add = true}
        %dma_wait3A_73 = arith.constant 0 : i32
        %dma_wait3A_74 = tpu.memref_slice %arg8[%add3A_66, %dma_wait3A_73] : memref<40x125xi32, #tpu.memory_space<vmem>> -> memref<1x125xi32, #tpu.memory_space<vmem>>
        %dma_wait3A_75 = tpu.memref_squeeze %dma_wait3A_74 : memref<1x125xi32, #tpu.memory_space<vmem>> -> memref<125xi32, #tpu.memory_space<vmem>>
        %dma_wait3A_76 = arith.constant 0 : i32
        %dma_wait3A_77 = arith.constant 0 : i32
        %dma_wait3A_78 = tpu.memref_slice %arg11[%dma_wait3A_76, %dma_wait3A_77] : memref<10000x128xf32, #tpu.memory_space<vmem_shared>> -> memref<10000x128xf32, #tpu.memory_space<vmem_shared>>
        tpu.wait_indirect_dma semaphore(%run_scoped3A : memref<!tpu.dma_semaphore, #tpu.memory_space<semaphore_mem>>) src(%arg10 : memref<125x128xf32, #tpu.memory_space<vmem>>) dst(%dma_wait3A_78 : memref<10000x128xf32, #tpu.memory_space<vmem_shared>>)
        tpu.yield
      }) : () -> ()
    }
    %scan3A_28 = arith.constant 20 : i32
    %barrier3A_29 = arith.constant 0 : index
    tpu.barrier barrier_id(%barrier3A_29)
    %mul3A_30 = arith.constant 624 : i32
    %mul3A_31 = arith.muli %arg1, %mul3A_30 : i32
    "tpu.region"() ({
      %run_scoped3A = tpu.sem_alloc : memref<!tpu.dma_semaphore, #tpu.memory_space<semaphore_mem>>
      %dma_start3A_37 = arith.constant 0 : i32
      %dma_start3A_38 = tpu.memref_slice %arg6[%arg0, %mul3A_31, %dma_start3A_37] : memref<2x10000x128xf32, #tpu.memory_space<hbm>> -> memref<1x624x128xf32, #tpu.memory_space<hbm>>
      %dma_start3A_39 = tpu.memref_squeeze %dma_start3A_38 : memref<1x624x128xf32, #tpu.memory_space<hbm>> -> memref<624x128xf32, #tpu.memory_space<hbm>>
      %dma_start3A_40 = arith.constant 0 : i32
      %dma_start3A_41 = tpu.memref_slice %arg11[%mul3A_31, %dma_start3A_40] : memref<10000x128xf32, #tpu.memory_space<vmem_shared>> -> memref<624x128xf32, #tpu.memory_space<vmem_shared>>
      tpu.enqueue_dma source(%dma_start3A_41 : memref<624x128xf32, #tpu.memory_space<vmem_shared>>) target(%dma_start3A_39 : memref<624x128xf32, #tpu.memory_space<hbm>>) target_semaphore(%run_scoped3A : memref<!tpu.dma_semaphore, #tpu.memory_space<semaphore_mem>>)
      %dma_wait3A = arith.constant 0 : i32
      %dma_wait3A_42 = tpu.memref_slice %arg6[%arg0, %mul3A_31, %dma_wait3A] : memref<2x10000x128xf32, #tpu.memory_space<hbm>> -> memref<1x624x128xf32, #tpu.memory_space<hbm>>
      %dma_wait3A_43 = tpu.memref_squeeze %dma_wait3A_42 : memref<1x624x128xf32, #tpu.memory_space<hbm>> -> memref<624x128xf32, #tpu.memory_space<hbm>>
      %dma_wait3A_44 = arith.constant 0 : i32
      %dma_wait3A_45 = tpu.memref_slice %arg11[%mul3A_31, %dma_wait3A_44] : memref<10000x128xf32, #tpu.memory_space<vmem_shared>> -> memref<624x128xf32, #tpu.memory_space<vmem_shared>>
      tpu.wait_dma2 semaphore(%run_scoped3A : memref<!tpu.dma_semaphore, #tpu.memory_space<semaphore_mem>>) src(%dma_wait3A_45 : memref<624x128xf32, #tpu.memory_space<vmem_shared>>) dst(%dma_wait3A_43 : memref<624x128xf32, #tpu.memory_space<hbm>>)
      tpu.yield
    }) : () -> ()
    %eq3A_32 = arith.constant 15 : i32
    %eq3A_33 = arith.cmpi eq, %arg1, %eq3A_32 : i32
    %convert_element_type3A_34 = arith.extui %eq3A_33 : i1 to i32
    %cond3A_35 = arith.constant 0 : i32
    %cond3A_36 = arith.cmpi ne, %convert_element_type3A_34, %cond3A_35 : i32
    scf.if %cond3A_36 {
      "tpu.region"() ({
        %run_scoped3A = tpu.sem_alloc : memref<!tpu.dma_semaphore, #tpu.memory_space<semaphore_mem>>
        %dma_start3A_37 = arith.constant 9984 : i32
        %dma_start3A_38 = arith.constant 0 : i32
        %dma_start3A_39 = tpu.memref_slice %arg6[%arg0, %dma_start3A_37, %dma_start3A_38] : memref<2x10000x128xf32, #tpu.memory_space<hbm>> -> memref<1x16x128xf32, #tpu.memory_space<hbm>>
        %dma_start3A_40 = tpu.memref_squeeze %dma_start3A_39 : memref<1x16x128xf32, #tpu.memory_space<hbm>> -> memref<16x128xf32, #tpu.memory_space<hbm>>
        %dma_start3A_41 = arith.constant 9984 : i32
        %dma_start3A_42 = arith.constant 0 : i32
        %dma_start3A_43 = tpu.memref_slice %arg11[%dma_start3A_41, %dma_start3A_42] : memref<10000x128xf32, #tpu.memory_space<vmem_shared>> -> memref<16x128xf32, #tpu.memory_space<vmem_shared>>
        tpu.enqueue_dma source(%dma_start3A_43 : memref<16x128xf32, #tpu.memory_space<vmem_shared>>) target(%dma_start3A_40 : memref<16x128xf32, #tpu.memory_space<hbm>>) target_semaphore(%run_scoped3A : memref<!tpu.dma_semaphore, #tpu.memory_space<semaphore_mem>>)
        %dma_wait3A = arith.constant 9984 : i32
        %dma_wait3A_44 = arith.constant 0 : i32
        %dma_wait3A_45 = tpu.memref_slice %arg6[%arg0, %dma_wait3A, %dma_wait3A_44] : memref<2x10000x128xf32, #tpu.memory_space<hbm>> -> memref<1x16x128xf32, #tpu.memory_space<hbm>>
        %dma_wait3A_46 = tpu.memref_squeeze %dma_wait3A_45 : memref<1x16x128xf32, #tpu.memory_space<hbm>> -> memref<16x128xf32, #tpu.memory_space<hbm>>
        %dma_wait3A_47 = arith.constant 9984 : i32
        %dma_wait3A_48 = arith.constant 0 : i32
        %dma_wait3A_49 = tpu.memref_slice %arg11[%dma_wait3A_47, %dma_wait3A_48] : memref<10000x128xf32, #tpu.memory_space<vmem_shared>> -> memref<16x128xf32, #tpu.memory_space<vmem_shared>>
        tpu.wait_dma2 semaphore(%run_scoped3A : memref<!tpu.dma_semaphore, #tpu.memory_space<semaphore_mem>>) src(%dma_wait3A_49 : memref<16x128xf32, #tpu.memory_space<vmem_shared>>) dst(%dma_wait3A_46 : memref<16x128xf32, #tpu.memory_space<hbm>>)
        tpu.yield
      }) : () -> ()
    } else {
    }
    return
  }
}

module attributes {stable_mosaic.version = 14 : i64} {
  func.func @_combine2_body(%arg0: i32, %arg1: memref<1000x128xf32, #tpu.memory_space<vmem>>, %arg2: memref<1000x128xf32, #tpu.memory_space<vmem>>, %arg3: memref<1000x128xf32, #tpu.memory_space<vmem>>, %arg4: memref<1000x128xf32, #tpu.memory_space<vmem>>, %arg5: memref<1000x128xf32, #tpu.memory_space<vmem>>, %arg6: memref<128x128xf32, #tpu.memory_space<vmem>>, %arg7: memref<128x128xf32, #tpu.memory_space<vmem>>, %arg8: memref<1x128xf32, #tpu.memory_space<vmem>>, %arg9: memref<1000x128xf32, #tpu.memory_space<vmem>>) attributes {dimension_semantics = [#tpu.dimension_semantics<arbitrary>], iteration_bounds = array<i64: 10>, scalar_prefetch = 0 : i64, scratch_operands = 0 : i64, tpu.core_type = #tpu.core_type<tc>, window_params = [{transform_indices = @transform_0, window_bounds = array<i64: 1000, 128>}, {transform_indices = @transform_1, window_bounds = array<i64: 1000, 128>}, {transform_indices = @transform_2, window_bounds = array<i64: 1000, 128>}, {transform_indices = @transform_3, window_bounds = array<i64: 1000, 128>}, {transform_indices = @transform_4, window_bounds = array<i64: 1000, 128>}, {pipeline_mode = #tpu.pipeline_mode<synchronous>, transform_indices = @transform_5, window_bounds = array<i64: 128, 128>}, {pipeline_mode = #tpu.pipeline_mode<synchronous>, transform_indices = @transform_6, window_bounds = array<i64: 128, 128>}, {pipeline_mode = #tpu.pipeline_mode<synchronous>, transform_indices = @transform_7, window_bounds = array<i64: 1, 128>}, {transform_indices = @transform_8, window_bounds = array<i64: 1000, 128>}]} {
    %get3A = arith.constant 0 : index
    %get3A_0 = arith.constant 0 : index
    %get3A_1 = vector.load %arg3[%get3A, %get3A_0] : memref<1000x128xf32, #tpu.memory_space<vmem>>, vector<1000x128xf32>
    %slice3A = vector.extract_strided_slice %get3A_1 {offsets = [0, 0], sizes = [1000, 1], strides = [1, 1]} : vector<1000x128xf32> to vector<1000x1xf32>
    %get3A_2 = arith.constant 0 : index
    %get3A_3 = arith.constant 0 : index
    %get3A_4 = vector.load %arg4[%get3A_2, %get3A_3] : memref<1000x128xf32, #tpu.memory_space<vmem>>, vector<1000x128xf32>
    %slice3A_5 = vector.extract_strided_slice %get3A_4 {offsets = [0, 0], sizes = [1000, 1], strides = [1, 1]} : vector<1000x128xf32> to vector<1000x1xf32>
    %add3A = arith.addf %slice3A, %slice3A_5 : vector<1000x1xf32>
    %max3A = arith.constant 1.000000e+00 : f32
    %max3A_6 = vector.broadcast %max3A : f32 to vector<1000x1xf32>
    %max3A_7 = arith.maximumf %add3A, %max3A_6 : vector<1000x1xf32>
    %get3A_8 = arith.constant 0 : index
    %get3A_9 = arith.constant 0 : index
    %get3A_10 = vector.load %arg1[%get3A_8, %get3A_9] : memref<1000x128xf32, #tpu.memory_space<vmem>>, vector<1000x128xf32>
    %get3A_11 = arith.constant 0 : index
    %get3A_12 = arith.constant 0 : index
    %get3A_13 = vector.load %arg2[%get3A_11, %get3A_12] : memref<1000x128xf32, #tpu.memory_space<vmem>>, vector<1000x128xf32>
    %add3A_14 = arith.addf %get3A_10, %get3A_13 : vector<1000x128xf32>
    %div3A = vector.broadcast %max3A_7 : vector<1000x1xf32> to vector<1000x128xf32>
    %div3A_15 = arith.divf %add3A_14, %div3A : vector<1000x128xf32>
    %get3A_16 = arith.constant 0 : index
    %get3A_17 = arith.constant 0 : index
    %get3A_18 = vector.load %arg6[%get3A_16, %get3A_17] : memref<128x128xf32, #tpu.memory_space<vmem>>, vector<128x128xf32>
    %dot_general3A = arith.constant dense<0.000000e+00> : vector<1000x128xf32>
    %dot_general3A_19 = tpu.matmul %div3A_15, %get3A_18, %dot_general3A {dimension_numbers = #tpu.dot_dimension_numbers<[1], [1], [0], [0], [0, 0, 1, 0], [], []>, transpose_lhs_hint = false} : vector<1000x128xf32>, vector<128x128xf32>, vector<1000x128xf32> -> vector<1000x128xf32>
    %get3A_20 = arith.constant 0 : index
    %get3A_21 = arith.constant 0 : index
    %get3A_22 = vector.load %arg8[%get3A_20, %get3A_21] : memref<1x128xf32, #tpu.memory_space<vmem>>, vector<1x128xf32>
    %add3A_23 = vector.broadcast %get3A_22 : vector<1x128xf32> to vector<1000x128xf32>
    %add3A_24 = arith.addf %dot_general3A_19, %add3A_23 : vector<1000x128xf32>
    %get3A_25 = arith.constant 0 : index
    %get3A_26 = arith.constant 0 : index
    %get3A_27 = vector.load %arg5[%get3A_25, %get3A_26] : memref<1000x128xf32, #tpu.memory_space<vmem>>, vector<1000x128xf32>
    %get3A_28 = arith.constant 0 : index
    %get3A_29 = arith.constant 0 : index
    %get3A_30 = vector.load %arg7[%get3A_28, %get3A_29] : memref<128x128xf32, #tpu.memory_space<vmem>>, vector<128x128xf32>
    %dot_general3A_31 = arith.constant dense<0.000000e+00> : vector<1000x128xf32>
    %dot_general3A_32 = tpu.matmul %get3A_27, %get3A_30, %dot_general3A_31 {dimension_numbers = #tpu.dot_dimension_numbers<[1], [1], [0], [0], [0, 0, 1, 0], [], []>, transpose_lhs_hint = false} : vector<1000x128xf32>, vector<128x128xf32>, vector<1000x128xf32> -> vector<1000x128xf32>
    %add3A_33 = arith.addf %add3A_24, %dot_general3A_32 : vector<1000x128xf32>
    %max3A_34 = arith.constant 0.000000e+00 : f32
    %max3A_35 = vector.broadcast %max3A_34 : f32 to vector<1000x128xf32>
    %max3A_36 = arith.maximumf %add3A_33, %max3A_35 : vector<1000x128xf32>
    %swap3A = arith.constant 0 : index
    %swap3A_37 = arith.constant 0 : index
    %swap3A_38 = vector.load %arg9[%swap3A, %swap3A_37] : memref<1000x128xf32, #tpu.memory_space<vmem>>, vector<1000x128xf32>
    tpu.vector_store %arg9[%swap3A, %swap3A_37], %max3A_36 {strides = array<i32>} : memref<1000x128xf32, #tpu.memory_space<vmem>>, vector<1000x128xf32>,
    return
  }
  func.func @transform_0(%arg0: i32) -> (i32, i32) {
    %c0_i32 = arith.constant 0 : i32
    %c0_i32_0 = arith.constant 0 : i32
    return %arg0, %c0_i32 : i32, i32
  }
  func.func @transform_1(%arg0: i32) -> (i32, i32) {
    %c0_i32 = arith.constant 0 : i32
    %c0_i32_0 = arith.constant 0 : i32
    return %arg0, %c0_i32 : i32, i32
  }
  func.func @transform_2(%arg0: i32) -> (i32, i32) {
    %c0_i32 = arith.constant 0 : i32
    %c0_i32_0 = arith.constant 0 : i32
    return %arg0, %c0_i32 : i32, i32
  }
  func.func @transform_3(%arg0: i32) -> (i32, i32) {
    %c0_i32 = arith.constant 0 : i32
    %c0_i32_0 = arith.constant 0 : i32
    return %arg0, %c0_i32 : i32, i32
  }
  func.func @transform_4(%arg0: i32) -> (i32, i32) {
    %c0_i32 = arith.constant 0 : i32
    %c0_i32_0 = arith.constant 0 : i32
    return %arg0, %c0_i32 : i32, i32
  }
  func.func @transform_5(%arg0: i32) -> (i32, i32) {
    %c0_i32 = arith.constant 0 : i32
    %c0_i32_0 = arith.constant 0 : i32
    %c0_i32_1 = arith.constant 0 : i32
    return %c0_i32, %c0_i32_0 : i32, i32
  }
  func.func @transform_6(%arg0: i32) -> (i32, i32) {
    %c0_i32 = arith.constant 0 : i32
    %c0_i32_0 = arith.constant 0 : i32
    %c0_i32_1 = arith.constant 0 : i32
    return %c0_i32, %c0_i32_0 : i32, i32
  }
  func.func @transform_7(%arg0: i32) -> (i32, i32) {
    %c0_i32 = arith.constant 0 : i32
    %c0_i32_0 = arith.constant 0 : i32
    %c0_i32_1 = arith.constant 0 : i32
    return %c0_i32, %c0_i32_0 : i32, i32
  }
  func.func @transform_8(%arg0: i32) -> (i32, i32) {
    %c0_i32 = arith.constant 0 : i32
    %c0_i32_0 = arith.constant 0 : i32
    return %arg0, %c0_i32 : i32, i32
  }
}

module attributes {stable_mosaic.version = 14 : i64} {
  func.func @_final_body(%arg0: i32, %arg1: memref<1000x128xf32, #tpu.memory_space<vmem>>, %arg2: memref<1000x128xf32, #tpu.memory_space<vmem>>, %arg3: memref<1000x128xf32, #tpu.memory_space<vmem>>, %arg4: memref<1000x128xf32, #tpu.memory_space<vmem>>, %arg5: memref<1000x128xf32, #tpu.memory_space<vmem>>, %arg6: memref<128x128xf32, #tpu.memory_space<vmem>>, %arg7: memref<128x128xf32, #tpu.memory_space<vmem>>, %arg8: memref<1x128xf32, #tpu.memory_space<vmem>>, %arg9: memref<64x128xf32, #tpu.memory_space<vmem>>, %arg10: memref<1x64xf32, #tpu.memory_space<vmem>>, %arg11: memref<1000x64xf32, #tpu.memory_space<vmem>>) attributes {dimension_semantics = [#tpu.dimension_semantics<arbitrary>], iteration_bounds = array<i64: 10>, scalar_prefetch = 0 : i64, scratch_operands = 0 : i64, tpu.core_type = #tpu.core_type<tc>, window_params = [{transform_indices = @transform_0, window_bounds = array<i64: 1000, 128>}, {transform_indices = @transform_1, window_bounds = array<i64: 1000, 128>}, {transform_indices = @transform_2, window_bounds = array<i64: 1000, 128>}, {transform_indices = @transform_3, window_bounds = array<i64: 1000, 128>}, {transform_indices = @transform_4, window_bounds = array<i64: 1000, 128>}, {pipeline_mode = #tpu.pipeline_mode<synchronous>, transform_indices = @transform_5, window_bounds = array<i64: 128, 128>}, {pipeline_mode = #tpu.pipeline_mode<synchronous>, transform_indices = @transform_6, window_bounds = array<i64: 128, 128>}, {pipeline_mode = #tpu.pipeline_mode<synchronous>, transform_indices = @transform_7, window_bounds = array<i64: 1, 128>}, {pipeline_mode = #tpu.pipeline_mode<synchronous>, transform_indices = @transform_8, window_bounds = array<i64: 64, 128>}, {pipeline_mode = #tpu.pipeline_mode<synchronous>, transform_indices = @transform_9, window_bounds = array<i64: 1, 64>}, {transform_indices = @transform_10, window_bounds = array<i64: 1000, 64>}]} {
    %get3A = arith.constant 0 : index
    %get3A_0 = arith.constant 0 : index
    %get3A_1 = vector.load %arg3[%get3A, %get3A_0] : memref<1000x128xf32, #tpu.memory_space<vmem>>, vector<1000x128xf32>
    %slice3A = vector.extract_strided_slice %get3A_1 {offsets = [0, 0], sizes = [1000, 1], strides = [1, 1]} : vector<1000x128xf32> to vector<1000x1xf32>
    %get3A_2 = arith.constant 0 : index
    %get3A_3 = arith.constant 0 : index
    %get3A_4 = vector.load %arg4[%get3A_2, %get3A_3] : memref<1000x128xf32, #tpu.memory_space<vmem>>, vector<1000x128xf32>
    %slice3A_5 = vector.extract_strided_slice %get3A_4 {offsets = [0, 0], sizes = [1000, 1], strides = [1, 1]} : vector<1000x128xf32> to vector<1000x1xf32>
    %add3A = arith.addf %slice3A, %slice3A_5 : vector<1000x1xf32>
    %max3A = arith.constant 1.000000e+00 : f32
    %max3A_6 = vector.broadcast %max3A : f32 to vector<1000x1xf32>
    %max3A_7 = arith.maximumf %add3A, %max3A_6 : vector<1000x1xf32>
    %get3A_8 = arith.constant 0 : index
    %get3A_9 = arith.constant 0 : index
    %get3A_10 = vector.load %arg1[%get3A_8, %get3A_9] : memref<1000x128xf32, #tpu.memory_space<vmem>>, vector<1000x128xf32>
    %get3A_11 = arith.constant 0 : index
    %get3A_12 = arith.constant 0 : index
    %get3A_13 = vector.load %arg2[%get3A_11, %get3A_12] : memref<1000x128xf32, #tpu.memory_space<vmem>>, vector<1000x128xf32>
    %add3A_14 = arith.addf %get3A_10, %get3A_13 : vector<1000x128xf32>
    %div3A = vector.broadcast %max3A_7 : vector<1000x1xf32> to vector<1000x128xf32>
    %div3A_15 = arith.divf %add3A_14, %div3A : vector<1000x128xf32>
    %get3A_16 = arith.constant 0 : index
    %get3A_17 = arith.constant 0 : index
    %get3A_18 = vector.load %arg6[%get3A_16, %get3A_17] : memref<128x128xf32, #tpu.memory_space<vmem>>, vector<128x128xf32>
    %dot_general3A = arith.constant dense<0.000000e+00> : vector<1000x128xf32>
    %dot_general3A_19 = tpu.matmul %div3A_15, %get3A_18, %dot_general3A {dimension_numbers = #tpu.dot_dimension_numbers<[1], [1], [0], [0], [0, 0, 1, 0], [], []>, transpose_lhs_hint = false} : vector<1000x128xf32>, vector<128x128xf32>, vector<1000x128xf32> -> vector<1000x128xf32>
    %get3A_20 = arith.constant 0 : index
    %get3A_21 = arith.constant 0 : index
    %get3A_22 = vector.load %arg8[%get3A_20, %get3A_21] : memref<1x128xf32, #tpu.memory_space<vmem>>, vector<1x128xf32>
    %add3A_23 = vector.broadcast %get3A_22 : vector<1x128xf32> to vector<1000x128xf32>
    %add3A_24 = arith.addf %dot_general3A_19, %add3A_23 : vector<1000x128xf32>
    %get3A_25 = arith.constant 0 : index
    %get3A_26 = arith.constant 0 : index
    %get3A_27 = vector.load %arg5[%get3A_25, %get3A_26] : memref<1000x128xf32, #tpu.memory_space<vmem>>, vector<1000x128xf32>
    %get3A_28 = arith.constant 0 : index
    %get3A_29 = arith.constant 0 : index
    %get3A_30 = vector.load %arg7[%get3A_28, %get3A_29] : memref<128x128xf32, #tpu.memory_space<vmem>>, vector<128x128xf32>
    %dot_general3A_31 = arith.constant dense<0.000000e+00> : vector<1000x128xf32>
    %dot_general3A_32 = tpu.matmul %get3A_27, %get3A_30, %dot_general3A_31 {dimension_numbers = #tpu.dot_dimension_numbers<[1], [1], [0], [0], [0, 0, 1, 0], [], []>, transpose_lhs_hint = false} : vector<1000x128xf32>, vector<128x128xf32>, vector<1000x128xf32> -> vector<1000x128xf32>
    %add3A_33 = arith.addf %add3A_24, %dot_general3A_32 : vector<1000x128xf32>
    %get3A_34 = arith.constant 0 : index
    %get3A_35 = arith.constant 0 : index
    %get3A_36 = vector.load %arg9[%get3A_34, %get3A_35] : memref<64x128xf32, #tpu.memory_space<vmem>>, vector<64x128xf32>
    %dot_general3A_37 = arith.constant dense<0.000000e+00> : vector<1000x64xf32>
    %dot_general3A_38 = tpu.matmul %add3A_33, %get3A_36, %dot_general3A_37 {dimension_numbers = #tpu.dot_dimension_numbers<[1], [1], [0], [0], [0, 0, 1, 0], [], []>, transpose_lhs_hint = false} : vector<1000x128xf32>, vector<64x128xf32>, vector<1000x64xf32> -> vector<1000x64xf32>
    %get3A_39 = arith.constant 0 : index
    %get3A_40 = arith.constant 0 : index
    %get3A_41 = vector.load %arg10[%get3A_39, %get3A_40] : memref<1x64xf32, #tpu.memory_space<vmem>>, vector<1x64xf32>
    %add3A_42 = vector.broadcast %get3A_41 : vector<1x64xf32> to vector<1000x64xf32>
    %add3A_43 = arith.addf %dot_general3A_38, %add3A_42 : vector<1000x64xf32>
    %swap3A = arith.constant 0 : index
    %swap3A_44 = arith.constant 0 : index
    %swap3A_45 = vector.load %arg11[%swap3A, %swap3A_44] : memref<1000x64xf32, #tpu.memory_space<vmem>>, vector<1000x64xf32>
    tpu.vector_store %arg11[%swap3A, %swap3A_44], %add3A_43 {strides = array<i32>} : memref<1000x64xf32, #tpu.memory_space<vmem>>, vector<1000x64xf32>,
    return
  }
  func.func @transform_0(%arg0: i32) -> (i32, i32) {
    %c0_i32 = arith.constant 0 : i32
    %c0_i32_0 = arith.constant 0 : i32
    return %arg0, %c0_i32 : i32, i32
  }
  func.func @transform_1(%arg0: i32) -> (i32, i32) {
    %c0_i32 = arith.constant 0 : i32
    %c0_i32_0 = arith.constant 0 : i32
    return %arg0, %c0_i32 : i32, i32
  }
  func.func @transform_2(%arg0: i32) -> (i32, i32) {
    %c0_i32 = arith.constant 0 : i32
    %c0_i32_0 = arith.constant 0 : i32
    return %arg0, %c0_i32 : i32, i32
  }
  func.func @transform_3(%arg0: i32) -> (i32, i32) {
    %c0_i32 = arith.constant 0 : i32
    %c0_i32_0 = arith.constant 0 : i32
    return %arg0, %c0_i32 : i32, i32
  }
  func.func @transform_4(%arg0: i32) -> (i32, i32) {
    %c0_i32 = arith.constant 0 : i32
    %c0_i32_0 = arith.constant 0 : i32
    return %arg0, %c0_i32 : i32, i32
  }
  func.func @transform_5(%arg0: i32) -> (i32, i32) {
    %c0_i32 = arith.constant 0 : i32
    %c0_i32_0 = arith.constant 0 : i32
    %c0_i32_1 = arith.constant 0 : i32
    return %c0_i32, %c0_i32_0 : i32, i32
  }
  func.func @transform_6(%arg0: i32) -> (i32, i32) {
    %c0_i32 = arith.constant 0 : i32
    %c0_i32_0 = arith.constant 0 : i32
    %c0_i32_1 = arith.constant 0 : i32
    return %c0_i32, %c0_i32_0 : i32, i32
  }
  func.func @transform_7(%arg0: i32) -> (i32, i32) {
    %c0_i32 = arith.constant 0 : i32
    %c0_i32_0 = arith.constant 0 : i32
    %c0_i32_1 = arith.constant 0 : i32
    return %c0_i32, %c0_i32_0 : i32, i32
  }
  func.func @transform_8(%arg0: i32) -> (i32, i32) {
    %c0_i32 = arith.constant 0 : i32
    %c0_i32_0 = arith.constant 0 : i32
    %c0_i32_1 = arith.constant 0 : i32
    return %c0_i32, %c0_i32_0 : i32, i32
  }
  func.func @transform_9(%arg0: i32) -> (i32, i32) {
    %c0_i32 = arith.constant 0 : i32
    %c0_i32_0 = arith.constant 0 : i32
    %c0_i32_1 = arith.constant 0 : i32
    return %c0_i32, %c0_i32_0 : i32, i32
  }
  func.func @transform_10(%arg0: i32) -> (i32, i32) {
    %c0_i32 = arith.constant 0 : i32
    %c0_i32_0 = arith.constant 0 : i32
    return %arg0, %c0_i32 : i32, i32
  }
}

</mosaic_0001>

<sc_bundles>
// kernel: kernel.6.cloned.1.call-start
scs
__scs_entry_jumppad:
0x0: {  	(pc) =	sbr.rel $0x88, $3  }
0x1: {  	(tag) =	ssettag $0x0;
	lr =	simm.s32 $0x1  }
0x2: {  	[smem:$0x3F97] =	sst lr;
	_ =	strace $0xD0000000  }
0x3: {  	_ = 	snop  }
0x4: {  	_ = 	snop  }
0x5: {  	_ = 	snop  }
0x6: {  	_ = 	snop  }
0x7: {  	_ = 	snop  }
__scs_overlays_trampoline_lowered:
0x8: {  	[smem:$0x3FA6] =	sst s0  }
0x9: {  	[smem:$0x3FA7] =	sst s1  }
0xa: {  	[smem:$0x3FA8] =	sst s2  }
0xb: {  	[smem:$0x3FA9] =	sst s3  }
0xc: {  	[smem:$0x3FAA] =	sst s4  }
0xd: {  	[smem:$0x3FAB] =	sst s5  }
0xe: {  	[smem:$0x3FAC] =	sst s6  }
0xf: {  	[smem:$0x3FAD] =	sst s7  }
0x10: {  	[smem:$0x3FAE] =	sst s8  }
0x11: {  	[smem:$0x3FAF] =	sst s9;
	s0 =	simm.s32 @!p0 $0x0  }
0x12: {  	s1 =	sld [smem:$0x3F95];
	s0 =	simm.s32 @p0 $0x1  }
0x13: {  	[smem:$0x3FB0] =	sst s0;
	s0 =	simm.s32 @!p1 $0x0  }
0x14: {  	s2 =	sld [smem:$0x3F94];
	s0 =	simm.s32 @p1 $0x1  }
0x15: {  	[smem:$0x3FB1] =	sst s0;
	s0 =	simm.s32 @!p2 $0x0  }
0x16: {  	s3 =	sld [smem:$0x3FDB];
	s0 =	simm.s32 @p2 $0x1  }
0x17: {  	s4 =	simm.s32 $0x1BF5;
	[smem:$0x3FB3] =	sst s0  }
0x18: {  	s0 =	sld [smem:$0x3F96];
	_ =	swait.ge [sflag:s4], $0x0  }
0x19: {  	s7 =	sld [smem:$0x3F97]  }
0x1a: {  	s8 =	sadd.s32 $0xFFFFE003, lr  }
0x1b: {  	s9 =	sadd.s32 $0xFFFFFEF7, lr;
	s5 =	simm.s32 $0xFFFFFFFF;
	p2 =	slt.u32 s8, $0xFFFFF086  }
0x1c: {  	p1 =	slt.u32 s9, $0xF7A;
	s5 =	simm.s32 @!p2 $0x0  }
0x1d: {  	s5 =	simm.s32 @p1 $0x1;
	p0 =	seq.s32 s7, s2  }
0x1e: {  	s7 =	smul.u32 @!p0 $0xF7A, s2;
	p2 =	seq.s32 @!p0 s5, $0x0  }
0x1f: {  	s9 =	smul.u32 $0xF7A, s1;
	s8 =	simm.s32 @!p0 $0x1BF5;
	p2 =	por !p2, p0  }
0x20: {  	[sflag:s8] =	ssyncset.s32 @!p0 $0xFFFFF086;
	s6 =	sadd.s32 @!p0 s3, s7;
	s7 =	simm.s32 @!p0 $0x108  }
0x21: {  	s3 =	sadd.s32 s3, s9;
	s6 =	sadd.s32 @!p0 $0x88, s6;
	s7 =	simm.s32 @p2 $0x1082  }
0x22: {  	[simem:s7], [sflag:s8] =	dma.local @!p0 [hbm:s6], $0xF7A  }
0x23: {  	s9 =	sor.u32 $0xD0000000, s2;
	s6 =	simm.s32 $0x108;
	_ =	swait.ge @!p0 [sflag:s8], $0x0  }
0x24: {  	s3 =	sadd.s32 $0x88, s3;
	s6 =	simm.s32 @!p1 $0x1082;
	[sflag:s4] =	ssyncset.s32 $0xFFFFF086  }
0x25: {  	[simem:s6], [sflag:s4] =	dma.local [hbm:s3], $0xF7A  }
0x26: {  	[smem:$0x3F97] =	sst s1;
	(tag) =	ssettag s2;
	_ =	strace s9  }
0x27: {  	s1 =	sld [smem:$0x3FA7]  }
0x28: {  	s2 =	sld [smem:$0x3FA8]  }
0x29: {  	s4 =	sld [smem:$0x3FAA]  }
0x2a: {  	p0 =	seq.s32 s5, $0x0;
	s5 =	sld [smem:$0x3FAB]  }
0x2b: {  	s6 =	sld [smem:$0x3FAC]  }
0x2c: {  	s7 =	sld [smem:$0x3FAD]  }
0x2d: {  	s3 =	simm.s32 $0x108;
	s8 =	sld [smem:$0x3FAE]  }
0x2e: {  	s3 =	simm.s32 @!p0 $0x1082;
	s9 =	sld [smem:$0x3FAF]  }
0x2f: {  	lr =	sadd.s32 s0, s3;
	s0 =	sld [smem:$0x3FA6]  }
0x30: {  	s3 =	sld [smem:$0x3FA9]  }
0x31: {  	[smem:$0x3FB2] =	sst s10  }
0x32: {  	s10 =	sld [smem:$0x3FB0];
	_ =	sdelay $0x3  }
0x33: {  	p0 =	seq.s32 s10, $0x1;
	s10 =	sld [smem:$0x3FB2];
	_ =	sdelay $0x3  }
0x34: {  	[smem:$0x3FB2] =	sst s10  }
0x35: {  	s10 =	sld [smem:$0x3FB1];
	_ =	sdelay $0x3  }
0x36: {  	p1 =	seq.s32 s10, $0x1;
	s10 =	sld [smem:$0x3FB2];
	_ =	sdelay $0x3  }
0x37: {  	[smem:$0x3FB2] =	sst s10  }
0x38: {  	s10 =	sld [smem:$0x3FB3]  }
0x39: {  	_ = 	snop;
	(pc) =	sbr.ind lr, $3  }
0x3a: {  	_ = 	snop  }
0x3b: {  	_ = 	snop  }
0x3c: {  	p2 =	seq.s32 s10, $0x1;
	s10 =	sld [smem:$0x3FB2]  }
0x3d: {  	_ =	shalt  }
0x3e: {  	_ =	shalt  }
0x3f: {  	_ =	shalt  }
0x40: {  	_ =	shalt  }
0x41: {  	_ =	shalt  }
0x42: {  	_ =	shalt  }
0x43: {  	_ =	shalt  }
0x44: {  	_ =	shalt  }
0x45: {  	_ =	shalt  }
0x46: {  	_ =	shalt  }
0x47: {  	_ =	shalt  }
0x48: {  	_ =	shalt  }
0x49: {  	_ =	shalt  }
0x4a: {  	_ =	shalt  }
0x4b: {  	_ =	shalt  }
0x4c: {  	_ =	shalt  }
0x4d: {  	_ =	shalt  }
0x4e: {  	_ =	shalt  }
0x4f: {  	_ =	shalt  }
0x50: {  	_ =	shalt  }
0x51: {  	_ =	shalt  }
0x52: {  	_ =	shalt  }
0x53: {  	_ =	shalt  }
0x54: {  	_ =	shalt  }
0x55: {  	_ =	shalt  }
0x56: {  	_ =	shalt  }
0x57: {  	_ =	shalt  }
0x58: {  	_ =	shalt  }
0x59: {  	_ =	shalt  }
0x5a: {  	_ =	shalt  }
0x5b: {  	_ =	shalt  }
0x5c: {  	_ =	shalt  }
0x5d: {  	_ =	shalt  }
0x5e: {  	_ =	shalt  }
0x5f: {  	_ =	shalt  }
0x60: {  	_ =	shalt  }
0x61: {  	_ =	shalt  }
0x62: {  	_ =	shalt  }
0x63: {  	_ =	shalt  }
0x64: {  	_ =	shalt  }
0x65: {  	_ =	shalt  }
0x66: {  	_ =	shalt  }
0x67: {  	_ =	shalt  }
0x68: {  	_ =	shalt  }
0x69: {  	_ =	shalt  }
0x6a: {  	_ =	shalt  }
0x6b: {  	_ =	shalt  }
0x6c: {  	_ =	shalt  }
0x6d: {  	_ =	shalt  }
0x6e: {  	_ =	shalt  }
0x6f: {  	_ =	shalt  }
0x70: {  	_ =	shalt  }
0x71: {  	_ =	shalt  }
0x72: {  	_ =	shalt  }
0x73: {  	_ =	shalt  }
0x74: {  	_ =	shalt  }
0x75: {  	_ =	shalt  }
0x76: {  	_ =	shalt  }
0x77: {  	_ =	shalt  }
0x78: {  	_ =	shalt  }
0x79: {  	_ =	shalt  }
0x7a: {  	_ =	shalt  }
0x7b: {  	_ =	shalt  }
0x7c: {  	_ =	shalt  }
0x7d: {  	_ =	shalt  }
0x7e: {  	_ =	shalt  }
0x7f: {  	_ =	shalt  }
0x80: {  	_ =	shalt  }
0x81: {  	_ =	shalt  }
0x82: {  	_ =	shalt  }
0x83: {  	_ =	shalt  }
0x84: {  	_ =	shalt  }
0x85: {  	_ =	shalt  }
0x86: {  	_ =	shalt  }
0x87: {  	_ =	shalt  }
.Lfunc_end0:
.L_simem_size_0:
called_computation_lowered:
.L_overlay_start_0:
0x88: {  	s2 =	sld [smem:$0x3FD9]  }
0x89: {  	s3 =	sld [smem:$0x3FFE];
	_ =	sdelay $0x1  }
0x8a: {  	s1 =	srdreg.scid  }
0x8b: {  	s0 =	sand.u32 $0x1, s1  }
0x8c: {  	s17 =	sshll.u32 s0, $0xA;
	s2 =	sadd.s32 s3, s2  }
0x8d: {  	s2 =	sadd.s32 s2, s17  }
0x8e: {  	[smem:$0x3FBE] =	sst s2  }
0x8f: {  	_ = 	snop  }
0x90: {  	s2 =	sld [smem:$0x3FC9]  }
0x91: {  	s18 =	sld [smem:$0x3FD0];
	(tm) =	ssettm $0x1  }
0x92: {  	s4 =	sld [smem:$0x3FFB];
	_ =	sdelay $0x3  }
0x93: {  	_ =	strace s4  }
0x94: {  	s4 =	sld [smem:$0x3FFC];
	_ =	sdelay $0x3  }
0x95: {  	_ =	strace s4  }
0x96: {  	s4 =	sld [smem:$0x3FFD];
	_ =	sdelay $0x3  }
0x97: {  	_ =	strace s4  }
0x98: {  	_ =	strace $0x8FFFFFFF  }
0x99: {  	s19 =	sld [smem:$0x3FDB];
	_ =	sdelay $0x1  }
0x9a: {  	s5 =	simm.s32 $_scs_section_size  }
0x9b: {  	s6 =	simm.s32 $_size__tile_overlayer_lowered;
	s7 =	simm.s32 $_tile_overlayer_lowered  }
0x9c: {  	s22 =	simm.s32 $0x1BFF;
	s21 =	sshll.u32 s7, $0x1;
	s4 =	sadd.s32 s5, s19  }
0x9d: {  	s8 =	simm.s32 $0x0;
	s20 =	sshll.u32 s6, $0x1;
	s6 =	sadd.s32 s21, s4  }
0x9e: {  	[timem:s8], [sflag:s22] =	dma.local [hbm:s6], s20  }
0x9f: {  	_ =	swait.ge [sflag:s22], s20  }
0xa0: {  	s5 =	ssub.s32 $0x0, s20;
	[sflag:s22] =	ssyncset.done $0x0  }
0xa1: {  	[sflag:s22] =	ssyncadd.s32 s5;
	_ =	sdelay $0x1  }
0xa2: {  	s23 =	simm.s32 $0x1B8B  }
0xa3: {  	_ =	swait.ge [sflag:s23], $0x1  }
0xa4: {  	[sflag:s23] =	ssyncset.done $0x0  }
0xa5: {  	s25 =	simm.s32 $0x1B8E;
	s24 =	sld [smem:$0x3FFE];
	[sflag:s23] =	ssyncadd.s32 $0xFFFFFFFF  }
0xa6: {  	s26 =	simm.s32 $execute0_lowered;
	[smem:$0x3FD2] =	sst s25  }
0xa7: {  	s6 =	sshll.u32 s26, $0x1;
	_ =	strace $0x80000046;
	[dreg:$0x1] =	wrdreg $0xFFFFFFFF  }
0xa8: {  	s28 =	simm.s32 $_size_execute0_lowered;
	s4 =	sadd.s32 s4, s6;
	[dreg:$0x0] =	wrdreg $0x0  }
0xa9: {  	s6 =	sshll.u32 s28, $0x1;
	[dreg:$0x2] =	wrdreg s4  }
0xaa: {  	[dreg:$0x3] =	wrdreg s6  }
0xab: {  	[dreg:$0x4] =	wrdreg $0xC0  }
0xac: {  	_ =	task [dreg:s8], $0x5FFFF  }
0xad: {  	[dreg:$0x1] =	wrdreg $0xFFFFFFFF  }
0xae: {  	[dreg:$0x0] =	wrdreg $0x60  }
0xaf: {  	[dreg:$0x2] =	wrdreg s2  }
0xb0: {  	[dreg:$0x3] =	wrdreg s18  }
0xb1: {  	[dreg:$0x4] =	wrdreg s24  }
0xb2: {  	[dreg:$0x5] =	wrdreg $0xA8000  }
0xb3: {  	[dreg:$0x6] =	wrdreg $0x9  }
0xb4: {  	_ =	task.clear_ibuf [dreg:s8], $0x7FFFF;
	_ =	strace $0x90000046  }
0xb5: {  	s29 =	simm.s32 $0x9;
	_ =	strace $0x80000048  }
0xb6: {  	_ =	swait.ge [sflag:s29], $0x1  }
0xb7: {  	[sflag:s29] =	ssyncadd.s32 $0xFFFFFFFF  }
0xb8: {  	_ =	strace $0x90000048  }
0xb9: {  	_ =	sfence  }
0xba: {  	s30 =	sld [smem:$0x0];
	_ =	sdelay $0x2  }
0xbb: {  	s31 =	sshll.u32 s1, $0xD;
	s1 =	sshrl.u32 s1, $0x2  }
0xbc: {  	s3 =	sand.u32 $0x4000, s31;
	s1 =	sadd.s32 s1, s30  }
0xbd: {  	s0 =	sor.u32 s3, s0;
	s1 =	sshll.u32 s1, $0x11  }
0xbe: {  	s0 =	sor.u32 s1, s0  }
0xbf: {  	s0 =	sadd.s32 $0x8F2B, s0  }
0xc0: {  	[sflag:s0] =	ssyncadd.remote.s32 $0x1  }
0xc1: {  	_ =	sfence.sel $0xFFFF  }
0xc2: {  	[dreg:$0x0] =	wrdreg $0xFFFFFFFF;
	(pc) =	sbr.abs _section_cstart, $3  }
0xc3: {  	[dreg:$0x1] =	wrdreg $0xFFFFFFFF  }
0xc4: {  	_ =	task.clear_ibuf [dreg:s8], $0x2FFFF;
	_ =	strace $0x9FFFFFFF  }
0xc5: {  	(tm) =	ssettm $0x7FFFFFFF  }
tec
execute0_lowered:
.L_overlay_start_1:
0x0: {  	(tag) =	ssettag $0x1  }
0x1: {  	s1 =	rddreg [dreg:$0x0]  }
0x2: {  	s0 =	rddreg [dreg:$0x1]  }
0x3: {  	s2 =	rddreg [dreg:$0x2]  }
0x4: {  	s3 =	rddreg [dreg:$0x3]  }
0x5: {  	s4 =	simm.s32 $0x0;
	s17 =	stileid.u32;
	s6 =	srdreg.scid  }
0x6: {  	s28 =	simm.s32 $0x2700;
	s29 =	simm.s32 $0x2780;
	[smem:$0x7FF] =	sst s4  }
0x7: {  	s5 =	smul.u32 $0x13800, s17;
	s6 =	sand.u32 $0x1, s6;
	s8 =	sshll.u32 s17, $0x1  }
0x8: {  	s10 =	sadd.s32 $0x1A00, s2;
	s16 =	sadd.s32 $0xBA00, s2;
	s12 =	sadd.s32 $0x33400, s2  }
0x9: {  	s13 =	smul.u32 $0x4E000, s17;
	s14 =	sadd.s32 $0x81600, s2;
	s20 =	sadd.s32 $0x138000, s3  }
0xa: {  	p0 =	sne.s32 s17, $0xF;
	_ =	strace $0x80000047;
	s15 =	sor.u32 s6, s8  }
0xb: {  	[dreg:$0x5] =	wrdreg s16;
	s18 =	ssub.s32 $0x2, s6;
	s6 =	smul.u32 $0x138800, s6  }
0xc: {  	[dreg:$0x7] =	wrdreg s20;
	s20 =	simm.s32 $0x1400;
	s7 =	sshrl.u32 s5, $0x3  }
0xd: {  	s11 =	sshrl.u32 s18, $0x1;
	s19 =	sshrl.u32 s13, $0x2;
	s9 =	sadd.s32 s7, s2  }
0xe: {  	s7 =	smul.u32 $0x2800, s15;
	s15 =	ssub.s32 s18, s11;
	s8 =	sadd.s32 s19, s3  }
0xf: {  	s11 =	sadd.s32 $0x33200, s2;
	s22 =	sadd.s32 s5, s6;
	s23 =	sshrl.u32 s6, $0x3  }
0x10: {  	s19 =	simm.s32 $0x3;
	s5 =	simm.s32 $0x2480;
	s6 =	simm.s32 $0x2500  }
0x11: {  	s9 =	sadd.s32 $0xC200, s9;
	s24 =	sadd.s32 $0x27000, s23;
	s31 =	smax.u32 s15, $0x1  }
0x12: {  	s23 =	simm.s32 $0x6800;
	s26 =	sadd.s32 s12, s24;
	[dreg:$0xd] =	wrdreg s31  }
0x13: {  	s16 =	sshrl.u32 s7, $0x3;
	s30 =	sadd.s32 s14, s24;
	[dreg:$0xa] =	wrdreg s26  }
0x14: {  	s15 =	simm.s32 $0x0;
	s7 =	sadd.s32 s0, s16;
	[dreg:$0xc] =	wrdreg s30  }
0x15: {  	s24 =	simm.s32 $0x1;
	s21 =	sadd.s32 $0x280, s16;
	[dreg:$0x6] =	wrdreg s7  }
0x16: {  	s7 =	sadd.s32 s10, s16;
	s0 =	sadd.s32 s0, s21;
	s13 =	sadd.s32 s10, s21  }
0x17: {  	s21 =	simm.s32 $0x7D;
	[dreg:$0x8] =	wrdreg s0;
	s0 =	sshrl.u32 s22, $0x3  }
0x18: {  	s10 =	simm.s32 $0x2580;
	s22 =	simm.s32 $0x2800;
	s25 =	sadd.s32 s12, s0  }
0x19: {  	s0 =	sadd.s32 s14, s0;
	s12 =	simm.s32 $0x2600;
	[dreg:$0x9] =	wrdreg s25  }
0x1a: {  	s14 =	simm.s32 $0x2680;
	[dreg:$0xb] =	wrdreg s0;
	s25 =	simm.s32 $0x2  }
.LBB2_1:
0x1b: {  	s0 =	rddreg [dreg:$0x6]  }
0x1c: {  	[tilespmem:s4], [sflag:$0x3] =	stream.linear.gather [hbm4b:s0+s4], $0x1400, $0x38;
	[tilespmem:$0x1E080] =	vst v63  }
0x1d: {  	_ =	swait.ge [sflag:s19], $0x1400  }
0x1e: {  	[sflag:s19] =	ssyncset.done $0x0  }
0x1f: {  	[sflag:s19] =	ssyncadd.s32 $0xFFFFEC00  }
0x20: {  	[tilespmem:s20], [sflag:$0x3] =	stream.linear.gather [hbm4b:s7+s4], $0x1400, $0x38;
	[tilespmem:$0x1E080] =	vst v63  }
0x21: {  	s26 =	stileid.u32;
	_ =	swait.ge [sflag:s19], $0x1400  }
0x22: {  	s16 =	sshll.u32 s26, $0x6;
	[sflag:s19] =	ssyncset.done $0x0  }
0x23: {  	s17 =	sshrl.u32 s8, $0x3;
	s16 =	sor.u32 $0x1C03, s16;
	[sflag:s19] =	ssyncadd.s32 $0xFFFFEC00  }
0x24: {  	[tilespmem:s22], [sflag:$0x1] =	stream.indirect.gather [hbm4b:s1+s21], $0x80, s4, s21, $0xb8;
	[tilespmem:$0x1E080] =	vst v63  }
0x25: {  	[spmem:s17], [sflag:s16] =	dma.local [hbm:s9], $0x2700  }
0x26: {  	_ =	swait.ge [sflag:s19], $0x2700  }
0x27: {  	[sflag:s19] =	ssyncset.done $0x0;
	s0 =	rddreg [dreg:$0x7]  }
0x28: {  	s26 =	simm.s32 @!p0 $0x3;
	[sflag:s19] =	ssyncadd.s32 $0xFFFFD900;
	s18 =	sshrl.u32 @!p0 s0, $0x3  }
0x29: {  	[spmem:s18], [sflag:s16] =	dma.local @!p0 [hbm:s11], $0x100  }
0x2a: {  	_ =	swait.ge @!p0 [sflag:s26], $0x100  }
0x2b: {  	[sflag:s26] =	ssyncset.done @!p0 $0x0  }
0x2c: {  	[sflag:s26] =	ssyncadd.s32 @!p0 $0xFFFFFF00  }
0x2d: {  	s31 =	simm.s32 $0x80;
	[bflag:$0x0] =	sbarrier.arrive $0xFFFF  }
0x2e: {  	[tilespmem:s23], [sflag:$0x2] =	stream.indirect.gather [hbm4b:s1+s21], $0x80, s31, s21, $0xb8;
	[tilespmem:$0x1E080] =	vst v63  }
0x2f: {  	_ =	swait.ge [sflag:s24], $0x3E80  }
0x30: {  	[sflag:s24] =	ssyncset.done $0x0  }
0x31: {  	s0 =	simm.s32 $0x1400;
	[sflag:s24] =	ssyncadd.s32 $0xFFFFC180  }
0x32: {  	[spmem:s3] =	stream.indirect.scatter.add.f32 [tilespmem:s22], [sflag:$0x3], $0x80, s0, s21, $0xb8;
	[tilespmem:$0x1E080] =	vst v63  }
0x33: {  	_ =	swait.ge [sflag:s19], $0x3E80  }
0x34: {  	[sflag:s19] =	ssyncset.done $0x0  }
0x35: {  	s2 =	simm.s32 $0x100;
	[sflag:s19] =	ssyncadd.s32 $0xFFFFC180  }
0x36: {  	[tilespmem:s22], [sflag:$0x1] =	stream.indirect.gather [hbm4b:s1+s21], $0x80, s2, s21, $0xb8;
	[tilespmem:$0x1E080] =	vst v63  }
0x37: {  	_ =	swait.ge [sflag:s25], $0x3E80  }
0x38: {  	[sflag:s25] =	ssyncset.done $0x0  }
0x39: {  	s31 =	simm.s32 $0x1480;
	[sflag:s25] =	ssyncadd.s32 $0xFFFFC180  }
0x3a: {  	[spmem:s3] =	stream.indirect.scatter.add.f32 [tilespmem:s23], [sflag:$0x3], $0x80, s31, s21, $0xb8;
	[tilespmem:$0x1E080] =	vst v63  }
0x3b: {  	_ =	swait.ge [sflag:s19], $0x3E80  }
0x3c: {  	s30 =	simm.s32 $0x800;
	s26 =	simm.s32 $0x100;
	[sflag:s19] =	ssyncset.done $0x0  }
.LBB2_2:
0x3d: {  	s31 =	sadd.s32 $0x80, s26  }
0x3e: {  	[sflag:s19] =	ssyncadd.s32 $0xFFFFC180;
	s0 =	smov.u32 s30;
	s2 =	sadd.s32 $0x400, s30  }
0x3f: {  	[tilespmem:s23], [sflag:$0x2] =	stream.indirect.gather [hbm4b:s1+s21], $0x80, s31, s21, $0xb8;
	[tilespmem:$0x1E080] =	vst v63  }
0x40: {  	p1 =	sne.s32 s30, $0x4800;
	_ =	swait.ge [sflag:s24], $0x3E80  }
0x41: {  	[sflag:s24] =	ssyncset.done $0x0  }
0x42: {  	s30 =	sadd.s32 $0x1400, s26;
	[sflag:s24] =	ssyncadd.s32 $0xFFFFC180  }
0x43: {  	[spmem:s3] =	stream.indirect.scatter.add.f32 [tilespmem:s22], [sflag:$0x3], $0x80, s30, s21, $0xb8;
	[tilespmem:$0x1E080] =	vst v63  }
0x44: {  	_ =	swait.ge [sflag:s19], $0x3E80  }
0x45: {  	[sflag:s19] =	ssyncset.done $0x0  }
0x46: {  	s30 =	sadd.s32 $0x100, s26;
	[sflag:s19] =	ssyncadd.s32 $0xFFFFC180  }
0x47: {  	[tilespmem:s22], [sflag:$0x1] =	stream.indirect.gather [hbm4b:s1+s21], $0x80, s30, s21, $0xb8;
	[tilespmem:$0x1E080] =	vst v63  }
0x48: {  	_ =	swait.ge [sflag:s25], $0x3E80  }
.Ltmp0:
0x49: {  	[sflag:s25] =	ssyncset.done $0x0;
	(pc) =	sbr.rel @p1 .LBB2_2-.Ltmp0, $4  }
0x4a: {  	s26 =	sadd.s32 $0x1480, s26;
	[sflag:s25] =	ssyncadd.s32 $0xFFFFC180  }
0x4b: {  	[spmem:s3] =	stream.indirect.scatter.add.f32 [tilespmem:s23], [sflag:$0x3], $0x80, s26, s21, $0xb8;
	[tilespmem:$0x1E080] =	vst v63  }
0x4c: {  	_ =	swait.ge [sflag:s19], $0x3E80  }
0x4d: {  	s30 =	smov.u32 s2;
	s26 =	sshra.s32 s0, $0x2;
	[sflag:s19] =	ssyncset.done $0x0  }
0x4e: {  	s0 =	sadd.s32 $0x80, s26;
	[sflag:s19] =	ssyncadd.s32 $0xFFFFC180  }
0x4f: {  	[tilespmem:s23], [sflag:$0x2] =	stream.indirect.gather [hbm4b:s1+s21], $0x80, s0, s21, $0xb8;
	[tilespmem:$0x1E080] =	vst v63  }
0x50: {  	_ =	swait.ge [sflag:s24], $0x3E80  }
0x51: {  	[sflag:s24] =	ssyncset.done $0x0  }
0x52: {  	s31 =	sadd.s32 $0x1400, s26;
	[sflag:s24] =	ssyncadd.s32 $0xFFFFC180  }
0x53: {  	[spmem:s3] =	stream.indirect.scatter.add.f32 [tilespmem:s22], [sflag:$0x3], $0x80, s31, s21, $0xb8;
	[tilespmem:$0x1E080] =	vst v63  }
0x54: {  	_ =	swait.ge [sflag:s19], $0x3E80  }
0x55: {  	[sflag:s19] =	ssyncset.done $0x0  }
0x56: {  	s2 =	sadd.s32 $0x100, s26;
	[sflag:s19] =	ssyncadd.s32 $0xFFFFC180  }
0x57: {  	[tilespmem:s22], [sflag:$0x1] =	stream.indirect.gather [hbm4b:s1+s21], $0x80, s2, s21, $0xb8;
	[tilespmem:$0x1E080] =	vst v63  }
0x58: {  	_ =	swait.ge [sflag:s25], $0x3E80  }
0x59: {  	[sflag:s25] =	ssyncset.done $0x0  }
0x5a: {  	s31 =	sadd.s32 $0x1480, s26;
	[sflag:s25] =	ssyncadd.s32 $0xFFFFC180  }
0x5b: {  	[spmem:s3] =	stream.indirect.scatter.add.f32 [tilespmem:s23], [sflag:$0x3], $0x80, s31, s21, $0xb8;
	[tilespmem:$0x1E080] =	vst v63  }
0x5c: {  	_ =	swait.ge [sflag:s19], $0x3E80  }
0x5d: {  	[sflag:s19] =	ssyncset.done $0x0  }
0x5e: {  	s2 =	simm.s32 $0x1380;
	[sflag:s19] =	ssyncadd.s32 $0xFFFFC180  }
0x5f: {  	[tilespmem:s23], [sflag:$0x2] =	stream.indirect.gather [hbm4b:s1+s21], $0x80, s2, s21, $0xb8;
	[tilespmem:$0x1E080] =	vst v63  }
0x60: {  	_ =	swait.ge [sflag:s24], $0x3E80  }
0x61: {  	[sflag:s24] =	ssyncset.done $0x0  }
0x62: {  	[sflag:s24] =	ssyncadd.s32 $0xFFFFC180  }
0x63: {  	[spmem:s3] =	stream.indirect.scatter.add.f32 [tilespmem:s22], [sflag:$0x3], $0x80, s28, s21, $0xb8;
	[tilespmem:$0x1E080] =	vst v63  }
0x64: {  	_ =	swait.ge [sflag:s19], $0x3E80  }
0x65: {  	[sflag:s19] =	ssyncset.done $0x0  }
0x66: {  	[sflag:s19] =	ssyncadd.s32 $0xFFFFC180  }
0x67: {  	_ =	swait.ge [sflag:s25], $0x3E80  }
0x68: {  	[sflag:s25] =	ssyncset.done $0x0  }
0x69: {  	[sflag:s25] =	ssyncadd.s32 $0xFFFFC180  }
0x6a: {  	[spmem:s3] =	stream.indirect.scatter.add.f32 [tilespmem:s23], [sflag:$0x3], $0x80, s29, s21, $0xb8;
	[tilespmem:$0x1E080] =	vst v63  }
0x6b: {  	_ =	swait.ge [sflag:s19], $0x3E80  }
0x6c: {  	[sflag:s19] =	ssyncset.done $0x0  }
0x6d: {  	s26 =	simm.s32 $0x0;
	s2 =	rddreg [dreg:$0x8];
	[sflag:s19] =	ssyncadd.s32 $0xFFFFC180  }
0x6e: {  	[tilespmem:s26], [sflag:$0x3] =	stream.linear.gather [hbm4b:s2+s26], $0x1400, $0x38;
	[tilespmem:$0x1E080] =	vst v63  }
0x6f: {  	_ =	swait.ge [sflag:s19], $0x1400  }
0x70: {  	[sflag:s19] =	ssyncset.done $0x0  }
0x71: {  	[sflag:s19] =	ssyncadd.s32 $0xFFFFEC00  }
0x72: {  	[tilespmem:s20], [sflag:$0x3] =	stream.linear.gather [hbm4b:s13+s26], $0x1400, $0x38;
	[tilespmem:$0x1E080] =	vst v63  }
0x73: {  	_ =	swait.ge [sflag:s19], $0x1400  }
0x74: {  	[sflag:s19] =	ssyncset.done $0x0  }
0x75: {  	[sflag:s19] =	ssyncadd.s32 $0xFFFFEC00  }
0x76: {  	[tilespmem:s22], [sflag:$0x1] =	stream.indirect.gather [hbm4b:s1+s21], $0x80, s26, s21, $0xb8;
	[tilespmem:$0x1E080] =	vst v63  }
0x77: {  	s31 =	simm.s32 $0x80  }
0x78: {  	[tilespmem:s23], [sflag:$0x2] =	stream.indirect.gather [hbm4b:s1+s21], $0x80, s31, s21, $0xb8;
	[tilespmem:$0x1E080] =	vst v63  }
0x79: {  	_ =	swait.ge [sflag:s24], $0x3E80  }
0x7a: {  	[sflag:s24] =	ssyncset.done $0x0  }
0x7b: {  	s2 =	simm.s32 $0x1400;
	[sflag:s24] =	ssyncadd.s32 $0xFFFFC180  }
0x7c: {  	[spmem:s3] =	stream.indirect.scatter.add.f32 [tilespmem:s22], [sflag:$0x3], $0x80, s2, s21, $0xb8;
	[tilespmem:$0x1E080] =	vst v63  }
0x7d: {  	_ =	swait.ge [sflag:s19], $0x3E80  }
0x7e: {  	[sflag:s19] =	ssyncset.done $0x0  }
0x7f: {  	s26 =	simm.s32 $0x100;
	[sflag:s19] =	ssyncadd.s32 $0xFFFFC180  }
0x80: {  	[tilespmem:s22], [sflag:$0x1] =	stream.indirect.gather [hbm4b:s1+s21], $0x80, s26, s21, $0xb8;
	[tilespmem:$0x1E080] =	vst v63  }
0x81: {  	_ =	swait.ge [sflag:s25], $0x3E80  }
0x82: {  	[sflag:s25] =	ssyncset.done $0x0  }
0x83: {  	s31 =	simm.s32 $0x1480;
	[sflag:s25] =	ssyncadd.s32 $0xFFFFC180  }
0x84: {  	[spmem:s3] =	stream.indirect.scatter.add.f32 [tilespmem:s23], [sflag:$0x3], $0x80, s31, s21, $0xb8;
	[tilespmem:$0x1E080] =	vst v63  }
0x85: {  	_ =	swait.ge [sflag:s19], $0x3E80  }
0x86: {  	s30 =	simm.s32 $0x800;
	s26 =	simm.s32 $0x100;
	[sflag:s19] =	ssyncset.done $0x0  }
.LBB2_4:
0x87: {  	s0 =	sadd.s32 $0x80, s26  }
0x88: {  	[sflag:s19] =	ssyncadd.s32 $0xFFFFC180;
	s2 =	smov.u32 s30;
	s31 =	sadd.s32 $0x400, s30  }
0x89: {  	[tilespmem:s23], [sflag:$0x2] =	stream.indirect.gather [hbm4b:s1+s21], $0x80, s0, s21, $0xb8;
	[tilespmem:$0x1E080] =	vst v63  }
0x8a: {  	p1 =	sne.s32 s30, $0x4800;
	_ =	swait.ge [sflag:s24], $0x3E80  }
0x8b: {  	[sflag:s24] =	ssyncset.done $0x0  }
0x8c: {  	s0 =	sadd.s32 $0x1400, s26;
	[sflag:s24] =	ssyncadd.s32 $0xFFFFC180  }
0x8d: {  	[spmem:s3] =	stream.indirect.scatter.add.f32 [tilespmem:s22], [sflag:$0x3], $0x80, s0, s21, $0xb8;
	[tilespmem:$0x1E080] =	vst v63  }
0x8e: {  	_ =	swait.ge [sflag:s19], $0x3E80  }
0x8f: {  	[sflag:s19] =	ssyncset.done $0x0  }
0x90: {  	s0 =	sadd.s32 $0x100, s26;
	[sflag:s19] =	ssyncadd.s32 $0xFFFFC180  }
0x91: {  	[tilespmem:s22], [sflag:$0x1] =	stream.indirect.gather [hbm4b:s1+s21], $0x80, s0, s21, $0xb8;
	[tilespmem:$0x1E080] =	vst v63  }
0x92: {  	_ =	swait.ge [sflag:s25], $0x3E80  }
.Ltmp1:
0x93: {  	[sflag:s25] =	ssyncset.done $0x0;
	(pc) =	sbr.rel @p1 .LBB2_4-.Ltmp1, $4  }
0x94: {  	s0 =	sadd.s32 $0x1480, s26;
	[sflag:s25] =	ssyncadd.s32 $0xFFFFC180  }
0x95: {  	[spmem:s3] =	stream.indirect.scatter.add.f32 [tilespmem:s23], [sflag:$0x3], $0x80, s0, s21, $0xb8;
	[tilespmem:$0x1E080] =	vst v63  }
0x96: {  	_ =	swait.ge [sflag:s19], $0x3E80  }
0x97: {  	s30 =	smov.u32 s31;
	s26 =	sshra.s32 s2, $0x2;
	[sflag:s19] =	ssyncset.done $0x0  }
0x98: {  	s0 =	sadd.s32 $0x80, s26;
	[sflag:s19] =	ssyncadd.s32 $0xFFFFC180  }
0x99: {  	[tilespmem:s23], [sflag:$0x2] =	stream.indirect.gather [hbm4b:s1+s21], $0x80, s0, s21, $0xb8;
	[tilespmem:$0x1E080] =	vst v63  }
0x9a: {  	_ =	swait.ge [sflag:s24], $0x3E80  }
0x9b: {  	[sflag:s24] =	ssyncset.done $0x0  }
0x9c: {  	s2 =	sadd.s32 $0x1400, s26;
	[sflag:s24] =	ssyncadd.s32 $0xFFFFC180  }
0x9d: {  	[spmem:s3] =	stream.indirect.scatter.add.f32 [tilespmem:s22], [sflag:$0x3], $0x80, s2, s21, $0xb8;
	[tilespmem:$0x1E080] =	vst v63  }
0x9e: {  	_ =	swait.ge [sflag:s19], $0x3E80  }
0x9f: {  	[sflag:s19] =	ssyncset.done $0x0  }
0xa0: {  	s2 =	sadd.s32 $0x100, s26;
	[sflag:s19] =	ssyncadd.s32 $0xFFFFC180  }
0xa1: {  	[tilespmem:s22], [sflag:$0x1] =	stream.indirect.gather [hbm4b:s1+s21], $0x80, s2, s21, $0xb8;
	[tilespmem:$0x1E080] =	vst v63  }
0xa2: {  	_ =	swait.ge [sflag:s25], $0x3E80  }
0xa3: {  	[sflag:s25] =	ssyncset.done $0x0  }
0xa4: {  	s2 =	sadd.s32 $0x1480, s26;
	[sflag:s25] =	ssyncadd.s32 $0xFFFFC180  }
0xa5: {  	[spmem:s3] =	stream.indirect.scatter.add.f32 [tilespmem:s23], [sflag:$0x3], $0x80, s2, s21, $0xb8;
	[tilespmem:$0x1E080] =	vst v63  }
0xa6: {  	_ =	swait.ge [sflag:s19], $0x3E80  }
0xa7: {  	[sflag:s19] =	ssyncset.done $0x0  }
0xa8: {  	s26 =	simm.s32 $0x1380;
	[sflag:s19] =	ssyncadd.s32 $0xFFFFC180  }
0xa9: {  	[tilespmem:s23], [sflag:$0x2] =	stream.indirect.gather [hbm4b:s1+s21], $0x80, s26, s21, $0xb8;
	[tilespmem:$0x1E080] =	vst v63  }
0xaa: {  	_ =	swait.ge [sflag:s24], $0x3E80  }
0xab: {  	[sflag:s24] =	ssyncset.done $0x0  }
0xac: {  	[sflag:s24] =	ssyncadd.s32 $0xFFFFC180  }
0xad: {  	[spmem:s3] =	stream.indirect.scatter.add.f32 [tilespmem:s22], [sflag:$0x3], $0x80, s28, s21, $0xb8;
	[tilespmem:$0x1E080] =	vst v63  }
0xae: {  	_ =	swait.ge [sflag:s19], $0x3E80  }
0xaf: {  	[sflag:s19] =	ssyncset.done $0x0  }
0xb0: {  	[sflag:s19] =	ssyncadd.s32 $0xFFFFC180  }
0xb1: {  	_ =	swait.ge [sflag:s25], $0x3E80  }
0xb2: {  	[sflag:s25] =	ssyncset.done $0x0  }
0xb3: {  	[sflag:s25] =	ssyncadd.s32 $0xFFFFC180  }
0xb4: {  	[spmem:s3] =	stream.indirect.scatter.add.f32 [tilespmem:s23], [sflag:$0x3], $0x80, s29, s21, $0xb8;
	[tilespmem:$0x1E080] =	vst v63  }
0xb5: {  	_ =	swait.ge [sflag:s19], $0x3E80  }
0xb6: {  	[sflag:s19] =	ssyncset.done $0x0  }
0xb7: {  	[sflag:s19] =	ssyncadd.s32 $0xFFFFC180  }
0xb8: {  	[bflag:$0x0] =	sbarrier.arrive $0xFFFF  }
0xb9: {  	s2 =	rddreg [dreg:$0x9]  }
0xba: {  	[hbm:s2], [sflag:s16] =	dma.local [spmem:s17], $0x2700  }
0xbb: {  	_ =	swait.ge [sflag:s19], $0x2700  }
0xbc: {  	[sflag:s19] =	ssyncset.done $0x0  }
0xbd: {  	[sflag:s19] =	ssyncadd.s32 $0xFFFFD900  }
0xbe: {  	s0 =	sshrl.u32 @p0 s8, $0x3;
	[bflag:$0x0] =	sbarrier.arrive @p0 $0xFFFF  }
0xbf: {  	[spmem:s0], [sflag:s16] =	dma.local @p0 [hbm:s9], $0x2700  }
0xc0: {  	s0 =	simm.s32 @p0 $0x3  }
0xc1: {  	_ =	swait.ge @p0 [sflag:s0], $0x2700  }
0xc2: {  	[sflag:s0] =	ssyncset.done @p0 $0x0  }
0xc3: {  	[sflag:s0] =	ssyncadd.s32 @p0 $0xFFFFD900;
	s0 =	rddreg [dreg:$0xa]  }
0xc4: {  	[hbm:s0], [sflag:s16] =	dma.local @!p0 [spmem:s18], $0x100  }
0xc5: {  	s0 =	simm.s32 @!p0 $0x3  }
0xc6: {  	_ =	swait.ge @!p0 [sflag:s0], $0x100  }
0xc7: {  	[sflag:s0] =	ssyncset.done @!p0 $0x0  }
0xc8: {  	[sflag:s0] =	ssyncadd.s32 @!p0 $0xFFFFFF00  }
0xc9: {  	s2 =	sshrl.u32 @!p0 s8, $0x3;
	[bflag:$0x0] =	sbarrier.arrive @!p0 $0xFFFF  }
0xca: {  	[spmem:s2], [sflag:s16] =	dma.local @!p0 [hbm:s9], $0x2700  }
0xcb: {  	_ =	swait.ge @!p0 [sflag:s0], $0x2700  }
0xcc: {  	[sflag:s0] =	ssyncset.done @!p0 $0x0  }
0xcd: {  	[sflag:s0] =	ssyncadd.s32 @!p0 $0xFFFFD900  }
0xce: {  	[spmem:s18], [sflag:s16] =	dma.local @!p0 [hbm:s11], $0x100  }
0xcf: {  	_ =	swait.ge @!p0 [sflag:s0], $0x100  }
0xd0: {  	[sflag:s0] =	ssyncset.done @!p0 $0x0  }
0xd1: {  	s26 =	rddreg [dreg:$0x5];
	[sflag:s0] =	ssyncadd.s32 @!p0 $0xFFFFFF00  }
0xd2: {  	[tilespmem:s22], [sflag:$0x3] =	stream.linear.gather [hbm4b:s26+s4], $0x3E80, $0x38;
	[tilespmem:$0x1E080] =	vst v63  }
0xd3: {  	_ =	swait.ge [sflag:s19], $0x3E80  }
0xd4: {  	[sflag:s19] =	ssyncset.done $0x0  }
0xd5: {  	[sflag:s19] =	ssyncadd.s32 $0xFFFFC180  }
0xd6: {  	[bflag:$0x0] =	sbarrier.arrive $0xFFFF  }
0xd7: {  	[tilespmem:s20], [sflag:$0x3] =	stream.linear.gather [hbm4b:s7+s4], $0x1400, $0x38;
	[tilespmem:$0x1E080] =	vst v63  }
0xd8: {  	_ =	swait.ge [sflag:s19], $0x1400  }
0xd9: {  	[sflag:s19] =	ssyncset.done $0x0  }
0xda: {  	[sflag:s19] =	ssyncadd.s32 $0xFFFFEC00  }
0xdb: {  	[spmem:s3] =	stream.indirect.scatter.add.f32 [tilespmem:s22], [sflag:$0x1], $0x80, s20, s21, $0xb8;
	[tilespmem:$0x1E080] =	vst v63  }
0xdc: {  	s0 =	simm.s32 $0x1480  }
0xdd: {  	[spmem:s3] =	stream.indirect.scatter.add.f32 [tilespmem:s22], [sflag:$0x1], $0x80, s0, s21, $0xb8;
	[tilespmem:$0x1E080] =	vst v63  }
0xde: {  	s2 =	simm.s32 $0x1500  }
0xdf: {  	[spmem:s3] =	stream.indirect.scatter.add.f32 [tilespmem:s22], [sflag:$0x1], $0x80, s2, s21, $0xb8;
	[tilespmem:$0x1E080] =	vst v63  }
0xe0: {  	s30 =	simm.s32 $0x1580  }
0xe1: {  	[spmem:s3] =	stream.indirect.scatter.add.f32 [tilespmem:s22], [sflag:$0x1], $0x80, s30, s21, $0xb8;
	[tilespmem:$0x1E080] =	vst v63  }
0xe2: {  	s31 =	simm.s32 $0x1600  }
0xe3: {  	[spmem:s3] =	stream.indirect.scatter.add.f32 [tilespmem:s22], [sflag:$0x1], $0x80, s31, s21, $0xb8;
	[tilespmem:$0x1E080] =	vst v63  }
0xe4: {  	s26 =	simm.s32 $0x1680  }
0xe5: {  	[spmem:s3] =	stream.indirect.scatter.add.f32 [tilespmem:s22], [sflag:$0x1], $0x80, s26, s21, $0xb8;
	[tilespmem:$0x1E080] =	vst v63  }
0xe6: {  	s26 =	simm.s32 $0x1700  }
0xe7: {  	[spmem:s3] =	stream.indirect.scatter.add.f32 [tilespmem:s22], [sflag:$0x1], $0x80, s26, s21, $0xb8;
	[tilespmem:$0x1E080] =	vst v63  }
0xe8: {  	s26 =	simm.s32 $0x1780  }
0xe9: {  	[spmem:s3] =	stream.indirect.scatter.add.f32 [tilespmem:s22], [sflag:$0x1], $0x80, s26, s21, $0xb8;
	[tilespmem:$0x1E080] =	vst v63  }
0xea: {  	s26 =	simm.s32 $0x1800  }
0xeb: {  	[spmem:s3] =	stream.indirect.scatter.add.f32 [tilespmem:s22], [sflag:$0x1], $0x80, s26, s21, $0xb8;
	[tilespmem:$0x1E080] =	vst v63  }
0xec: {  	s26 =	simm.s32 $0x1880  }
0xed: {  	[spmem:s3] =	stream.indirect.scatter.add.f32 [tilespmem:s22], [sflag:$0x1], $0x80, s26, s21, $0xb8;
	[tilespmem:$0x1E080] =	vst v63  }
0xee: {  	s26 =	simm.s32 $0x1900  }
0xef: {  	[spmem:s3] =	stream.indirect.scatter.add.f32 [tilespmem:s22], [sflag:$0x1], $0x80, s26, s21, $0xb8;
	[tilespmem:$0x1E080] =	vst v63  }
0xf0: {  	s26 =	simm.s32 $0x1980  }
0xf1: {  	[spmem:s3] =	stream.indirect.scatter.add.f32 [tilespmem:s22], [sflag:$0x1], $0x80, s26, s21, $0xb8;
	[tilespmem:$0x1E080] =	vst v63  }
0xf2: {  	s26 =	simm.s32 $0x1A00  }
0xf3: {  	[spmem:s3] =	stream.indirect.scatter.add.f32 [tilespmem:s22], [sflag:$0x1], $0x80, s26, s21, $0xb8;
	[tilespmem:$0x1E080] =	vst v63  }
0xf4: {  	s26 =	simm.s32 $0x1A80  }
0xf5: {  	[spmem:s3] =	stream.indirect.scatter.add.f32 [tilespmem:s22], [sflag:$0x1], $0x80, s26, s21, $0xb8;
	[tilespmem:$0x1E080] =	vst v63  }
0xf6: {  	s26 =	simm.s32 $0x1B00  }
0xf7: {  	[spmem:s3] =	stream.indirect.scatter.add.f32 [tilespmem:s22], [sflag:$0x1], $0x80, s26, s21, $0xb8;
	[tilespmem:$0x1E080] =	vst v63  }
0xf8: {  	s26 =	simm.s32 $0x1B80  }
0xf9: {  	[spmem:s3] =	stream.indirect.scatter.add.f32 [tilespmem:s22], [sflag:$0x1], $0x80, s26, s21, $0xb8;
	[tilespmem:$0x1E080] =	vst v63  }
0xfa: {  	s26 =	simm.s32 $0x1C00  }
0xfb: {  	[spmem:s3] =	stream.indirect.scatter.add.f32 [tilespmem:s22], [sflag:$0x1], $0x80, s26, s21, $0xb8;
	[tilespmem:$0x1E080] =	vst v63  }
0xfc: {  	s26 =	simm.s32 $0x1C80  }
0xfd: {  	[spmem:s3] =	stream.indirect.scatter.add.f32 [tilespmem:s22], [sflag:$0x1], $0x80, s26, s21, $0xb8;
	[tilespmem:$0x1E080] =	vst v63  }
0xfe: {  	s26 =	simm.s32 $0x1D00  }
0xff: {  	[spmem:s3] =	stream.indirect.scatter.add.f32 [tilespmem:s22], [sflag:$0x1], $0x80, s26, s21, $0xb8;
	[tilespmem:$0x1E080] =	vst v63  }
0x100: {  	s26 =	simm.s32 $0x1D80  }
0x101: {  	[spmem:s3] =	stream.indirect.scatter.add.f32 [tilespmem:s22], [sflag:$0x1], $0x80, s26, s21, $0xb8;
	[tilespmem:$0x1E080] =	vst v63  }
0x102: {  	s26 =	simm.s32 $0x1E00  }
0x103: {  	[spmem:s3] =	stream.indirect.scatter.add.f32 [tilespmem:s22], [sflag:$0x1], $0x80, s26, s21, $0xb8;
	[tilespmem:$0x1E080] =	vst v63  }
0x104: {  	s26 =	simm.s32 $0x1E80  }
0x105: {  	[spmem:s3] =	stream.indirect.scatter.add.f32 [tilespmem:s22], [sflag:$0x1], $0x80, s26, s21, $0xb8;
	[tilespmem:$0x1E080] =	vst v63  }
0x106: {  	s26 =	simm.s32 $0x1F00  }
0x107: {  	[spmem:s3] =	stream.indirect.scatter.add.f32 [tilespmem:s22], [sflag:$0x1], $0x80, s26, s21, $0xb8;
	[tilespmem:$0x1E080] =	vst v63  }
0x108: {  	s26 =	simm.s32 $0x1F80  }
0x109: {  	[spmem:s3] =	stream.indirect.scatter.add.f32 [tilespmem:s22], [sflag:$0x1], $0x80, s26, s21, $0xb8;
	[tilespmem:$0x1E080] =	vst v63  }
0x10a: {  	s26 =	simm.s32 $0x2000  }
0x10b: {  	[spmem:s3] =	stream.indirect.scatter.add.f32 [tilespmem:s22], [sflag:$0x1], $0x80, s26, s21, $0xb8;
	[tilespmem:$0x1E080] =	vst v63  }
0x10c: {  	s26 =	simm.s32 $0x2080  }
0x10d: {  	[spmem:s3] =	stream.indirect.scatter.add.f32 [tilespmem:s22], [sflag:$0x1], $0x80, s26, s21, $0xb8;
	[tilespmem:$0x1E080] =	vst v63  }
0x10e: {  	s26 =	simm.s32 $0x2100  }
0x10f: {  	[spmem:s3] =	stream.indirect.scatter.add.f32 [tilespmem:s22], [sflag:$0x1], $0x80, s26, s21, $0xb8;
	[tilespmem:$0x1E080] =	vst v63  }
0x110: {  	s26 =	simm.s32 $0x2180  }
0x111: {  	[spmem:s3] =	stream.indirect.scatter.add.f32 [tilespmem:s22], [sflag:$0x1], $0x80, s26, s21, $0xb8;
	[tilespmem:$0x1E080] =	vst v63  }
0x112: {  	s26 =	simm.s32 $0x2200  }
0x113: {  	[spmem:s3] =	stream.indirect.scatter.add.f32 [tilespmem:s22], [sflag:$0x1], $0x80, s26, s21, $0xb8;
	[tilespmem:$0x1E080] =	vst v63  }
0x114: {  	s26 =	simm.s32 $0x2280  }
0x115: {  	[spmem:s3] =	stream.indirect.scatter.add.f32 [tilespmem:s22], [sflag:$0x1], $0x80, s26, s21, $0xb8;
	[tilespmem:$0x1E080] =	vst v63  }
0x116: {  	s26 =	simm.s32 $0x2300  }
0x117: {  	[spmem:s3] =	stream.indirect.scatter.add.f32 [tilespmem:s22], [sflag:$0x1], $0x80, s26, s21, $0xb8;
	[tilespmem:$0x1E080] =	vst v63  }
0x118: {  	s26 =	simm.s32 $0x2380  }
0x119: {  	[spmem:s3] =	stream.indirect.scatter.add.f32 [tilespmem:s22], [sflag:$0x1], $0x80, s26, s21, $0xb8;
	[tilespmem:$0x1E080] =	vst v63  }
0x11a: {  	s26 =	simm.s32 $0x2400  }
0x11b: {  	[spmem:s3] =	stream.indirect.scatter.add.f32 [tilespmem:s22], [sflag:$0x1], $0x80, s26, s21, $0xb8;
	[tilespmem:$0x1E080] =	vst v63  }
0x11c: {  	_ = 	snop  }
0x11d: {  	[spmem:s3] =	stream.indirect.scatter.add.f32 [tilespmem:s22], [sflag:$0x1], $0x80, s5, s21, $0xb8;
	[tilespmem:$0x1E080] =	vst v63  }
0x11e: {  	_ = 	snop  }
0x11f: {  	[spmem:s3] =	stream.indirect.scatter.add.f32 [tilespmem:s22], [sflag:$0x1], $0x80, s6, s21, $0xb8;
	[tilespmem:$0x1E080] =	vst v63  }
0x120: {  	_ = 	snop  }
0x121: {  	[spmem:s3] =	stream.indirect.scatter.add.f32 [tilespmem:s22], [sflag:$0x1], $0x80, s10, s21, $0xb8;
	[tilespmem:$0x1E080] =	vst v63  }
0x122: {  	_ = 	snop  }
0x123: {  	[spmem:s3] =	stream.indirect.scatter.add.f32 [tilespmem:s22], [sflag:$0x1], $0x80, s12, s21, $0xb8;
	[tilespmem:$0x1E080] =	vst v63  }
0x124: {  	_ = 	snop  }
0x125: {  	[spmem:s3] =	stream.indirect.scatter.add.f32 [tilespmem:s22], [sflag:$0x1], $0x80, s14, s21, $0xb8;
	[tilespmem:$0x1E080] =	vst v63  }
0x126: {  	_ = 	snop  }
0x127: {  	[spmem:s3] =	stream.indirect.scatter.add.f32 [tilespmem:s22], [sflag:$0x1], $0x80, s28, s21, $0xb8;
	[tilespmem:$0x1E080] =	vst v63  }
0x128: {  	_ = 	snop  }
0x129: {  	[spmem:s3] =	stream.indirect.scatter.add.f32 [tilespmem:s22], [sflag:$0x1], $0x80, s29, s21, $0xb8;
	[tilespmem:$0x1E080] =	vst v63  }
0x12a: {  	_ =	swait.ge [sflag:s24], $0x3E80  }
0x12b: {  	s26 =	simm.s32 $0x27;
	[sflag:s24] =	ssyncset.done $0x0  }
.LBB2_6:
0x12c: {  	p1 =	sne.s32 s26, $0x1;
	s26 =	sadd.s32 $0xFFFFFFFF, s26;
	[sflag:s24] =	ssyncadd.s32 $0xFFFFC180  }
.Ltmp2:
0x12d: {  	(pc) =	sbr.rel @p1 .LBB2_6-.Ltmp2, $3  }
0x12e: {  	_ =	sdelay $0x1  }
0x12f: {  	_ =	swait.ge [sflag:s24], $0x3E80  }
0x130: {  	[sflag:s24] =	ssyncset.done $0x0  }
0x131: {  	[sflag:s24] =	ssyncadd.s32 $0xFFFFC180  }
0x132: {  	[tilespmem:s20], [sflag:$0x3] =	stream.linear.gather [hbm4b:s13+s4], $0x1400, $0x38;
	[tilespmem:$0x1E080] =	vst v63  }
0x133: {  	_ =	swait.ge [sflag:s19], $0x1400  }
0x134: {  	[sflag:s19] =	ssyncset.done $0x0  }
0x135: {  	[sflag:s19] =	ssyncadd.s32 $0xFFFFEC00  }
0x136: {  	[spmem:s3] =	stream.indirect.scatter.add.f32 [tilespmem:s22], [sflag:$0x1], $0x80, s20, s21, $0xb8;
	[tilespmem:$0x1E080] =	vst v63  }
0x137: {  	_ = 	snop  }
0x138: {  	[spmem:s3] =	stream.indirect.scatter.add.f32 [tilespmem:s22], [sflag:$0x1], $0x80, s0, s21, $0xb8;
	[tilespmem:$0x1E080] =	vst v63  }
0x139: {  	_ = 	snop  }
0x13a: {  	[spmem:s3] =	stream.indirect.scatter.add.f32 [tilespmem:s22], [sflag:$0x1], $0x80, s2, s21, $0xb8;
	[tilespmem:$0x1E080] =	vst v63  }
0x13b: {  	_ = 	snop  }
0x13c: {  	[spmem:s3] =	stream.indirect.scatter.add.f32 [tilespmem:s22], [sflag:$0x1], $0x80, s30, s21, $0xb8;
	[tilespmem:$0x1E080] =	vst v63  }
0x13d: {  	_ = 	snop  }
0x13e: {  	[spmem:s3] =	stream.indirect.scatter.add.f32 [tilespmem:s22], [sflag:$0x1], $0x80, s31, s21, $0xb8;
	[tilespmem:$0x1E080] =	vst v63  }
0x13f: {  	s2 =	simm.s32 $0x1680  }
0x140: {  	[spmem:s3] =	stream.indirect.scatter.add.f32 [tilespmem:s22], [sflag:$0x1], $0x80, s2, s21, $0xb8;
	[tilespmem:$0x1E080] =	vst v63  }
0x141: {  	s26 =	simm.s32 $0x1700  }
0x142: {  	[spmem:s3] =	stream.indirect.scatter.add.f32 [tilespmem:s22], [sflag:$0x1], $0x80, s26, s21, $0xb8;
	[tilespmem:$0x1E080] =	vst v63  }
0x143: {  	s30 =	simm.s32 $0x1780  }
0x144: {  	[spmem:s3] =	stream.indirect.scatter.add.f32 [tilespmem:s22], [sflag:$0x1], $0x80, s30, s21, $0xb8;
	[tilespmem:$0x1E080] =	vst v63  }
0x145: {  	s31 =	simm.s32 $0x1800  }
0x146: {  	[spmem:s3] =	stream.indirect.scatter.add.f32 [tilespmem:s22], [sflag:$0x1], $0x80, s31, s21, $0xb8;
	[tilespmem:$0x1E080] =	vst v63  }
0x147: {  	s2 =	simm.s32 $0x1880  }
0x148: {  	[spmem:s3] =	stream.indirect.scatter.add.f32 [tilespmem:s22], [sflag:$0x1], $0x80, s2, s21, $0xb8;
	[tilespmem:$0x1E080] =	vst v63  }
0x149: {  	s26 =	simm.s32 $0x1900  }
0x14a: {  	[spmem:s3] =	stream.indirect.scatter.add.f32 [tilespmem:s22], [sflag:$0x1], $0x80, s26, s21, $0xb8;
	[tilespmem:$0x1E080] =	vst v63  }
0x14b: {  	s30 =	simm.s32 $0x1980  }
0x14c: {  	[spmem:s3] =	stream.indirect.scatter.add.f32 [tilespmem:s22], [sflag:$0x1], $0x80, s30, s21, $0xb8;
	[tilespmem:$0x1E080] =	vst v63  }
0x14d: {  	s31 =	simm.s32 $0x1A00  }
0x14e: {  	[spmem:s3] =	stream.indirect.scatter.add.f32 [tilespmem:s22], [sflag:$0x1], $0x80, s31, s21, $0xb8;
	[tilespmem:$0x1E080] =	vst v63  }
0x14f: {  	s2 =	simm.s32 $0x1A80  }
0x150: {  	[spmem:s3] =	stream.indirect.scatter.add.f32 [tilespmem:s22], [sflag:$0x1], $0x80, s2, s21, $0xb8;
	[tilespmem:$0x1E080] =	vst v63  }
0x151: {  	s26 =	simm.s32 $0x1B00  }
0x152: {  	[spmem:s3] =	stream.indirect.scatter.add.f32 [tilespmem:s22], [sflag:$0x1], $0x80, s26, s21, $0xb8;
	[tilespmem:$0x1E080] =	vst v63  }
0x153: {  	s30 =	simm.s32 $0x1B80  }
0x154: {  	[spmem:s3] =	stream.indirect.scatter.add.f32 [tilespmem:s22], [sflag:$0x1], $0x80, s30, s21, $0xb8;
	[tilespmem:$0x1E080] =	vst v63  }
0x155: {  	s31 =	simm.s32 $0x1C00  }
0x156: {  	[spmem:s3] =	stream.indirect.scatter.add.f32 [tilespmem:s22], [sflag:$0x1], $0x80, s31, s21, $0xb8;
	[tilespmem:$0x1E080] =	vst v63  }
0x157: {  	s2 =	simm.s32 $0x1C80  }
0x158: {  	[spmem:s3] =	stream.indirect.scatter.add.f32 [tilespmem:s22], [sflag:$0x1], $0x80, s2, s21, $0xb8;
	[tilespmem:$0x1E080] =	vst v63  }
0x159: {  	s26 =	simm.s32 $0x1D00  }
0x15a: {  	[spmem:s3] =	stream.indirect.scatter.add.f32 [tilespmem:s22], [sflag:$0x1], $0x80, s26, s21, $0xb8;
	[tilespmem:$0x1E080] =	vst v63  }
0x15b: {  	s30 =	simm.s32 $0x1D80  }
0x15c: {  	[spmem:s3] =	stream.indirect.scatter.add.f32 [tilespmem:s22], [sflag:$0x1], $0x80, s30, s21, $0xb8;
	[tilespmem:$0x1E080] =	vst v63  }
0x15d: {  	s31 =	simm.s32 $0x1E00  }
0x15e: {  	[spmem:s3] =	stream.indirect.scatter.add.f32 [tilespmem:s22], [sflag:$0x1], $0x80, s31, s21, $0xb8;
	[tilespmem:$0x1E080] =	vst v63  }
0x15f: {  	s2 =	simm.s32 $0x1E80  }
0x160: {  	[spmem:s3] =	stream.indirect.scatter.add.f32 [tilespmem:s22], [sflag:$0x1], $0x80, s2, s21, $0xb8;
	[tilespmem:$0x1E080] =	vst v63  }
0x161: {  	s26 =	simm.s32 $0x1F00  }
0x162: {  	[spmem:s3] =	stream.indirect.scatter.add.f32 [tilespmem:s22], [sflag:$0x1], $0x80, s26, s21, $0xb8;
	[tilespmem:$0x1E080] =	vst v63  }
0x163: {  	s30 =	simm.s32 $0x1F80  }
0x164: {  	[spmem:s3] =	stream.indirect.scatter.add.f32 [tilespmem:s22], [sflag:$0x1], $0x80, s30, s21, $0xb8;
	[tilespmem:$0x1E080] =	vst v63  }
0x165: {  	s31 =	simm.s32 $0x2000  }
0x166: {  	[spmem:s3] =	stream.indirect.scatter.add.f32 [tilespmem:s22], [sflag:$0x1], $0x80, s31, s21, $0xb8;
	[tilespmem:$0x1E080] =	vst v63  }
0x167: {  	s2 =	simm.s32 $0x2080  }
0x168: {  	[spmem:s3] =	stream.indirect.scatter.add.f32 [tilespmem:s22], [sflag:$0x1], $0x80, s2, s21, $0xb8;
	[tilespmem:$0x1E080] =	vst v63  }
0x169: {  	s26 =	simm.s32 $0x2100  }
0x16a: {  	[spmem:s3] =	stream.indirect.scatter.add.f32 [tilespmem:s22], [sflag:$0x1], $0x80, s26, s21, $0xb8;
	[tilespmem:$0x1E080] =	vst v63  }
0x16b: {  	s30 =	simm.s32 $0x2180  }
0x16c: {  	[spmem:s3] =	stream.indirect.scatter.add.f32 [tilespmem:s22], [sflag:$0x1], $0x80, s30, s21, $0xb8;
	[tilespmem:$0x1E080] =	vst v63  }
0x16d: {  	s31 =	simm.s32 $0x2200  }
0x16e: {  	[spmem:s3] =	stream.indirect.scatter.add.f32 [tilespmem:s22], [sflag:$0x1], $0x80, s31, s21, $0xb8;
	[tilespmem:$0x1E080] =	vst v63  }
0x16f: {  	s2 =	simm.s32 $0x2280  }
0x170: {  	[spmem:s3] =	stream.indirect.scatter.add.f32 [tilespmem:s22], [sflag:$0x1], $0x80, s2, s21, $0xb8;
	[tilespmem:$0x1E080] =	vst v63  }
0x171: {  	s26 =	simm.s32 $0x2300  }
0x172: {  	[spmem:s3] =	stream.indirect.scatter.add.f32 [tilespmem:s22], [sflag:$0x1], $0x80, s26, s21, $0xb8;
	[tilespmem:$0x1E080] =	vst v63  }
0x173: {  	s30 =	simm.s32 $0x2380  }
0x174: {  	[spmem:s3] =	stream.indirect.scatter.add.f32 [tilespmem:s22], [sflag:$0x1], $0x80, s30, s21, $0xb8;
	[tilespmem:$0x1E080] =	vst v63  }
0x175: {  	s31 =	simm.s32 $0x2400  }
0x176: {  	[spmem:s3] =	stream.indirect.scatter.add.f32 [tilespmem:s22], [sflag:$0x1], $0x80, s31, s21, $0xb8;
	[tilespmem:$0x1E080] =	vst v63  }
0x177: {  	_ = 	snop  }
0x178: {  	[spmem:s3] =	stream.indirect.scatter.add.f32 [tilespmem:s22], [sflag:$0x1], $0x80, s5, s21, $0xb8;
	[tilespmem:$0x1E080] =	vst v63  }
0x179: {  	_ = 	snop  }
0x17a: {  	[spmem:s3] =	stream.indirect.scatter.add.f32 [tilespmem:s22], [sflag:$0x1], $0x80, s6, s21, $0xb8;
	[tilespmem:$0x1E080] =	vst v63  }
0x17b: {  	_ = 	snop  }
0x17c: {  	[spmem:s3] =	stream.indirect.scatter.add.f32 [tilespmem:s22], [sflag:$0x1], $0x80, s10, s21, $0xb8;
	[tilespmem:$0x1E080] =	vst v63  }
0x17d: {  	_ = 	snop  }
0x17e: {  	[spmem:s3] =	stream.indirect.scatter.add.f32 [tilespmem:s22], [sflag:$0x1], $0x80, s12, s21, $0xb8;
	[tilespmem:$0x1E080] =	vst v63  }
0x17f: {  	_ = 	snop  }
0x180: {  	[spmem:s3] =	stream.indirect.scatter.add.f32 [tilespmem:s22], [sflag:$0x1], $0x80, s14, s21, $0xb8;
	[tilespmem:$0x1E080] =	vst v63  }
0x181: {  	_ = 	snop  }
0x182: {  	[spmem:s3] =	stream.indirect.scatter.add.f32 [tilespmem:s22], [sflag:$0x1], $0x80, s28, s21, $0xb8;
	[tilespmem:$0x1E080] =	vst v63  }
0x183: {  	_ = 	snop  }
0x184: {  	[spmem:s3] =	stream.indirect.scatter.add.f32 [tilespmem:s22], [sflag:$0x1], $0x80, s29, s21, $0xb8;
	[tilespmem:$0x1E080] =	vst v63  }
0x185: {  	_ =	swait.ge [sflag:s24], $0x3E80  }
0x186: {  	s26 =	simm.s32 $0x27;
	[sflag:s24] =	ssyncset.done $0x0  }
.LBB2_8:
0x187: {  	p1 =	sne.s32 s26, $0x1;
	s26 =	sadd.s32 $0xFFFFFFFF, s26;
	[sflag:s24] =	ssyncadd.s32 $0xFFFFC180  }
.Ltmp3:
0x188: {  	(pc) =	sbr.rel @p1 .LBB2_8-.Ltmp3, $3  }
0x189: {  	_ =	sdelay $0x1  }
0x18a: {  	_ =	swait.ge [sflag:s24], $0x3E80  }
0x18b: {  	[sflag:s24] =	ssyncset.done $0x0  }
0x18c: {  	[sflag:s24] =	ssyncadd.s32 $0xFFFFC180  }
0x18d: {  	[bflag:$0x0] =	sbarrier.arrive $0xFFFF  }
0x18e: {  	s0 =	rddreg [dreg:$0xb]  }
0x18f: {  	[hbm:s0], [sflag:s16] =	dma.local [spmem:s17], $0x2700  }
0x190: {  	_ =	swait.ge [sflag:s19], $0x2700  }
0x191: {  	[sflag:s19] =	ssyncset.done $0x0  }
0x192: {  	s0 =	rddreg [dreg:$0xc];
	[sflag:s19] =	ssyncadd.s32 $0xFFFFD900  }
0x193: {  	[hbm:s0], [sflag:s16] =	dma.local @!p0 [spmem:s18], $0x100  }
0x194: {  	s0 =	simm.s32 @!p0 $0x3  }
0x195: {  	_ =	swait.ge @!p0 [sflag:s0], $0x100  }
0x196: {  	s15 =	sadd.s32 $0x1, s15;
	s2 =	rddreg [dreg:$0xd]  }
0x197: {  	p1 =	sne.s32 s15, s2  }
.Ltmp4:
0x198: {  	_ = 	snop;
	(pc) =	sbr.rel @p1 .LBB2_1-.Ltmp4, $3  }
0x199: {  	_ =	sdelay $0x1  }
0x19a: {  	[sflag:s0] =	ssyncset.done @!p0 $0x0  }
0x19b: {  	[sflag:s0] =	ssyncadd.s32 @!p0 $0xFFFFFF00  }
0x19c: {  	_ =	sfence.sel $0x180000  }
0x19d: {  	[bflag:$0x0] =	sbarrier.arrive $0xFFFF  }
0x19e: {  	_ =	strace $0x90000047  }
0x19f: {  	s0 =	stileid.u32;
	[bflag:$0x2] =	sbarrier.arrive $0xFFFF  }
0x1a0: {  	p0 =	sne.s32 s0, $0x0;
	s0 =	rddreg [dreg:$0x4]  }
0x1a1: {  	s0 =	sadd.s32 @!p0 $0x100000, s0  }
0x1a2: {  	[sflag:s0] =	ssyncadd.tile.s32 @!p0 $0x1;
	_ =	shalt  }
.Lfunc_end2:
_tile_overlayer_lowered:
.L_overlay_start_2:
0x1a3: {  	(tag) =	ssettag $0x2  }
0x1a4: {  	s0 =	rddreg [dreg:$0x0];
	s2 =	stileid.u32  }
0x1a5: {  	s1 =	rddreg [dreg:$0x1];
	p0 =	sne.s32 s2, $0x0  }
0x1a6: {  	s3 =	rddreg [dreg:$0x2];
	[bflag:$0x3] =	sbarrier.arrive $0xFFFF;
	s2 =	simm.s32 @!p0 $0x1C03  }
0x1a7: {  	[timem:s3], [sflag:s2] =	dma.local @!p0 [hbm:s0], s1  }
0x1a8: {  	s0 =	simm.s32 @!p0 $0x3  }
0x1a9: {  	_ =	swait.ge @!p0 [sflag:s0], s1  }
0x1aa: {  	s1 =	ssub.s32 @!p0 $0x0, s1;
	[sflag:s0] =	ssyncset.done @!p0 $0x0  }
0x1ab: {  	[sflag:s0] =	ssyncadd.s32 @!p0 s1  }
0x1ac: {  	[bflag:$0x3] =	sbarrier.arrive $0xFFFF  }
0x1ad: {  	_ =	shalt  }

// kernel: kernel.9.cloned.1.call-start
scs
__scs_entry_jumppad:
0x0: {  	(pc) =	sbr.rel $0x88, $3  }
0x1: {  	(tag) =	ssettag $0x0;
	lr =	simm.s32 $0x1  }
0x2: {  	[smem:$0x3F97] =	sst lr;
	_ =	strace $0xD0000000  }
0x3: {  	_ = 	snop  }
0x4: {  	_ = 	snop  }
0x5: {  	_ = 	snop  }
0x6: {  	_ = 	snop  }
0x7: {  	_ = 	snop  }
__scs_overlays_trampoline_lowered:
0x8: {  	[smem:$0x3FA6] =	sst s0  }
0x9: {  	[smem:$0x3FA7] =	sst s1  }
0xa: {  	[smem:$0x3FA8] =	sst s2  }
0xb: {  	[smem:$0x3FA9] =	sst s3  }
0xc: {  	[smem:$0x3FAA] =	sst s4  }
0xd: {  	[smem:$0x3FAB] =	sst s5  }
0xe: {  	[smem:$0x3FAC] =	sst s6  }
0xf: {  	[smem:$0x3FAD] =	sst s7  }
0x10: {  	[smem:$0x3FAE] =	sst s8  }
0x11: {  	[smem:$0x3FAF] =	sst s9;
	s0 =	simm.s32 @!p0 $0x0  }
0x12: {  	s1 =	sld [smem:$0x3F95];
	s0 =	simm.s32 @p0 $0x1  }
0x13: {  	[smem:$0x3FB0] =	sst s0;
	s0 =	simm.s32 @!p1 $0x0  }
0x14: {  	s2 =	sld [smem:$0x3F94];
	s0 =	simm.s32 @p1 $0x1  }
0x15: {  	[smem:$0x3FB1] =	sst s0;
	s0 =	simm.s32 @!p2 $0x0  }
0x16: {  	s3 =	sld [smem:$0x3FDB];
	s0 =	simm.s32 @p2 $0x1  }
0x17: {  	s4 =	simm.s32 $0x1BF5;
	[smem:$0x3FB3] =	sst s0  }
0x18: {  	s0 =	sld [smem:$0x3F96];
	_ =	swait.ge [sflag:s4], $0x0  }
0x19: {  	s7 =	sld [smem:$0x3F97]  }
0x1a: {  	s8 =	sadd.s32 $0xFFFFE003, lr  }
0x1b: {  	s9 =	sadd.s32 $0xFFFFFEF7, lr;
	s5 =	simm.s32 $0xFFFFFFFF;
	p2 =	slt.u32 s8, $0xFFFFF086  }
0x1c: {  	p1 =	slt.u32 s9, $0xF7A;
	s5 =	simm.s32 @!p2 $0x0  }
0x1d: {  	s5 =	simm.s32 @p1 $0x1;
	p0 =	seq.s32 s7, s2  }
0x1e: {  	s7 =	smul.u32 @!p0 $0xF7A, s2;
	p2 =	seq.s32 @!p0 s5, $0x0  }
0x1f: {  	s9 =	smul.u32 $0xF7A, s1;
	s8 =	simm.s32 @!p0 $0x1BF5;
	p2 =	por !p2, p0  }
0x20: {  	[sflag:s8] =	ssyncset.s32 @!p0 $0xFFFFF086;
	s6 =	sadd.s32 @!p0 s3, s7;
	s7 =	simm.s32 @!p0 $0x108  }
0x21: {  	s3 =	sadd.s32 s3, s9;
	s6 =	sadd.s32 @!p0 $0x88, s6;
	s7 =	simm.s32 @p2 $0x1082  }
0x22: {  	[simem:s7], [sflag:s8] =	dma.local @!p0 [hbm:s6], $0xF7A  }
0x23: {  	s9 =	sor.u32 $0xD0000000, s2;
	s6 =	simm.s32 $0x108;
	_ =	swait.ge @!p0 [sflag:s8], $0x0  }
0x24: {  	s3 =	sadd.s32 $0x88, s3;
	s6 =	simm.s32 @!p1 $0x1082;
	[sflag:s4] =	ssyncset.s32 $0xFFFFF086  }
0x25: {  	[simem:s6], [sflag:s4] =	dma.local [hbm:s3], $0xF7A  }
0x26: {  	[smem:$0x3F97] =	sst s1;
	(tag) =	ssettag s2;
	_ =	strace s9  }
0x27: {  	s1 =	sld [smem:$0x3FA7]  }
0x28: {  	s2 =	sld [smem:$0x3FA8]  }
0x29: {  	s4 =	sld [smem:$0x3FAA]  }
0x2a: {  	p0 =	seq.s32 s5, $0x0;
	s5 =	sld [smem:$0x3FAB]  }
0x2b: {  	s6 =	sld [smem:$0x3FAC]  }
0x2c: {  	s7 =	sld [smem:$0x3FAD]  }
0x2d: {  	s3 =	simm.s32 $0x108;
	s8 =	sld [smem:$0x3FAE]  }
0x2e: {  	s3 =	simm.s32 @!p0 $0x1082;
	s9 =	sld [smem:$0x3FAF]  }
0x2f: {  	lr =	sadd.s32 s0, s3;
	s0 =	sld [smem:$0x3FA6]  }
0x30: {  	s3 =	sld [smem:$0x3FA9]  }
0x31: {  	[smem:$0x3FB2] =	sst s10  }
0x32: {  	s10 =	sld [smem:$0x3FB0];
	_ =	sdelay $0x3  }
0x33: {  	p0 =	seq.s32 s10, $0x1;
	s10 =	sld [smem:$0x3FB2];
	_ =	sdelay $0x3  }
0x34: {  	[smem:$0x3FB2] =	sst s10  }
0x35: {  	s10 =	sld [smem:$0x3FB1];
	_ =	sdelay $0x3  }
0x36: {  	p1 =	seq.s32 s10, $0x1;
	s10 =	sld [smem:$0x3FB2];
	_ =	sdelay $0x3  }
0x37: {  	[smem:$0x3FB2] =	sst s10  }
0x38: {  	s10 =	sld [smem:$0x3FB3]  }
0x39: {  	_ = 	snop;
	(pc) =	sbr.ind lr, $3  }
0x3a: {  	_ = 	snop  }
0x3b: {  	_ = 	snop  }
0x3c: {  	p2 =	seq.s32 s10, $0x1;
	s10 =	sld [smem:$0x3FB2]  }
0x3d: {  	_ =	shalt  }
0x3e: {  	_ =	shalt  }
0x3f: {  	_ =	shalt  }
0x40: {  	_ =	shalt  }
0x41: {  	_ =	shalt  }
0x42: {  	_ =	shalt  }
0x43: {  	_ =	shalt  }
0x44: {  	_ =	shalt  }
0x45: {  	_ =	shalt  }
0x46: {  	_ =	shalt  }
0x47: {  	_ =	shalt  }
0x48: {  	_ =	shalt  }
0x49: {  	_ =	shalt  }
0x4a: {  	_ =	shalt  }
0x4b: {  	_ =	shalt  }
0x4c: {  	_ =	shalt  }
0x4d: {  	_ =	shalt  }
0x4e: {  	_ =	shalt  }
0x4f: {  	_ =	shalt  }
0x50: {  	_ =	shalt  }
0x51: {  	_ =	shalt  }
0x52: {  	_ =	shalt  }
0x53: {  	_ =	shalt  }
0x54: {  	_ =	shalt  }
0x55: {  	_ =	shalt  }
0x56: {  	_ =	shalt  }
0x57: {  	_ =	shalt  }
0x58: {  	_ =	shalt  }
0x59: {  	_ =	shalt  }
0x5a: {  	_ =	shalt  }
0x5b: {  	_ =	shalt  }
0x5c: {  	_ =	shalt  }
0x5d: {  	_ =	shalt  }
0x5e: {  	_ =	shalt  }
0x5f: {  	_ =	shalt  }
0x60: {  	_ =	shalt  }
0x61: {  	_ =	shalt  }
0x62: {  	_ =	shalt  }
0x63: {  	_ =	shalt  }
0x64: {  	_ =	shalt  }
0x65: {  	_ =	shalt  }
0x66: {  	_ =	shalt  }
0x67: {  	_ =	shalt  }
0x68: {  	_ =	shalt  }
0x69: {  	_ =	shalt  }
0x6a: {  	_ =	shalt  }
0x6b: {  	_ =	shalt  }
0x6c: {  	_ =	shalt  }
0x6d: {  	_ =	shalt  }
0x6e: {  	_ =	shalt  }
0x6f: {  	_ =	shalt  }
0x70: {  	_ =	shalt  }
0x71: {  	_ =	shalt  }
0x72: {  	_ =	shalt  }
0x73: {  	_ =	shalt  }
0x74: {  	_ =	shalt  }
0x75: {  	_ =	shalt  }
0x76: {  	_ =	shalt  }
0x77: {  	_ =	shalt  }
0x78: {  	_ =	shalt  }
0x79: {  	_ =	shalt  }
0x7a: {  	_ =	shalt  }
0x7b: {  	_ =	shalt  }
0x7c: {  	_ =	shalt  }
0x7d: {  	_ =	shalt  }
0x7e: {  	_ =	shalt  }
0x7f: {  	_ =	shalt  }
0x80: {  	_ =	shalt  }
0x81: {  	_ =	shalt  }
0x82: {  	_ =	shalt  }
0x83: {  	_ =	shalt  }
0x84: {  	_ =	shalt  }
0x85: {  	_ =	shalt  }
0x86: {  	_ =	shalt  }
0x87: {  	_ =	shalt  }
.Lfunc_end0:
.L_simem_size_0:
called_computation.1_lowered:
.L_overlay_start_0:
0x88: {  	s2 =	sld [smem:$0x3FD9]  }
0x89: {  	s3 =	sld [smem:$0x3FFE];
	_ =	sdelay $0x1  }
0x8a: {  	s1 =	srdreg.scid  }
0x8b: {  	s0 =	sand.u32 $0x1, s1  }
0x8c: {  	s17 =	sshll.u32 s0, $0xA;
	s2 =	sadd.s32 s3, s2  }
0x8d: {  	s2 =	sadd.s32 s2, s17  }
0x8e: {  	[smem:$0x3FBE] =	sst s2  }
0x8f: {  	_ = 	snop  }
0x90: {  	s2 =	sld [smem:$0x3FD0];
	(tm) =	ssettm $0x1  }
0x91: {  	s18 =	sld [smem:$0x3FFB];
	_ =	sdelay $0x3  }
0x92: {  	_ =	strace s18  }
0x93: {  	s3 =	sld [smem:$0x3FFC];
	_ =	sdelay $0x3  }
0x94: {  	_ =	strace s3  }
0x95: {  	s3 =	sld [smem:$0x3FFD];
	_ =	sdelay $0x3  }
0x96: {  	_ =	strace s3  }
0x97: {  	_ =	strace $0x8FFFFFFF  }
0x98: {  	s19 =	sld [smem:$0x3FDB];
	_ =	sdelay $0x1  }
0x99: {  	s4 =	simm.s32 $_scs_section_size  }
0x9a: {  	s5 =	simm.s32 $_size__tile_overlayer_lowered;
	s6 =	simm.s32 $_tile_overlayer_lowered  }
0x9b: {  	s22 =	simm.s32 $0x1BFF;
	s21 =	sshll.u32 s6, $0x1;
	s3 =	sadd.s32 s4, s19  }
0x9c: {  	s7 =	simm.s32 $0x0;
	s20 =	sshll.u32 s5, $0x1;
	s5 =	sadd.s32 s21, s3  }
0x9d: {  	[timem:s7], [sflag:s22] =	dma.local [hbm:s5], s20  }
0x9e: {  	_ =	swait.ge [sflag:s22], s20  }
0x9f: {  	s4 =	ssub.s32 $0x0, s20;
	[sflag:s22] =	ssyncset.done $0x0  }
0xa0: {  	[sflag:s22] =	ssyncadd.s32 s4;
	_ =	sdelay $0x1  }
0xa1: {  	s23 =	simm.s32 $0x1B8B  }
0xa2: {  	_ =	swait.ge [sflag:s23], $0x1  }
0xa3: {  	[sflag:s23] =	ssyncset.done $0x0  }
0xa4: {  	s25 =	simm.s32 $0x1B8E;
	s24 =	sld [smem:$0x3FFE];
	[sflag:s23] =	ssyncadd.s32 $0xFFFFFFFF  }
0xa5: {  	s26 =	simm.s32 $execute0_lowered;
	[smem:$0x3FD2] =	sst s25  }
0xa6: {  	s5 =	sshll.u32 s26, $0x1;
	_ =	strace $0x80000049;
	[dreg:$0x1] =	wrdreg $0xFFFFFFFF  }
0xa7: {  	s28 =	simm.s32 $_size_execute0_lowered;
	s3 =	sadd.s32 s3, s5;
	[dreg:$0x0] =	wrdreg $0x0  }
0xa8: {  	s5 =	sshll.u32 s28, $0x1;
	[dreg:$0x2] =	wrdreg s3  }
0xa9: {  	[dreg:$0x3] =	wrdreg s5  }
0xaa: {  	[dreg:$0x4] =	wrdreg $0xC0  }
0xab: {  	_ =	task [dreg:s7], $0x5FFFF  }
0xac: {  	[dreg:$0x1] =	wrdreg $0xFFFFFFFF  }
0xad: {  	[dreg:$0x0] =	wrdreg $0x60  }
0xae: {  	[dreg:$0x2] =	wrdreg s24  }
0xaf: {  	[dreg:$0x3] =	wrdreg s2  }
0xb0: {  	[dreg:$0x4] =	wrdreg $0xA8000  }
0xb1: {  	[dreg:$0x5] =	wrdreg $0x9  }
0xb2: {  	_ =	task.clear_ibuf [dreg:s7], $0x6FFFF;
	_ =	strace $0x90000049  }
0xb3: {  	s29 =	simm.s32 $0x9;
	_ =	strace $0x8000004B  }
0xb4: {  	_ =	swait.ge [sflag:s29], $0x1  }
0xb5: {  	[sflag:s29] =	ssyncadd.s32 $0xFFFFFFFF  }
0xb6: {  	_ =	strace $0x9000004B  }
0xb7: {  	_ =	sfence  }
0xb8: {  	s30 =	sld [smem:$0x0];
	_ =	sdelay $0x2  }
0xb9: {  	s31 =	sshll.u32 s1, $0xD;
	s1 =	sshrl.u32 s1, $0x2  }
0xba: {  	s3 =	sand.u32 $0x4000, s31;
	s1 =	sadd.s32 s1, s30  }
0xbb: {  	s0 =	sor.u32 s3, s0;
	s1 =	sshll.u32 s1, $0x11  }
0xbc: {  	s0 =	sor.u32 s1, s0  }
0xbd: {  	s0 =	sadd.s32 $0x8F2B, s0  }
0xbe: {  	[sflag:s0] =	ssyncadd.remote.s32 $0x1  }
0xbf: {  	_ =	sfence.sel $0xFFFF  }
0xc0: {  	[dreg:$0x0] =	wrdreg $0xFFFFFFFF;
	(pc) =	sbr.abs _section_cstart, $3  }
0xc1: {  	[dreg:$0x1] =	wrdreg $0xFFFFFFFF  }
0xc2: {  	_ =	task.clear_ibuf [dreg:s7], $0x2FFFF;
	_ =	strace $0x9FFFFFFF  }
0xc3: {  	(tm) =	ssettm $0x7FFFFFFF  }
tec
execute0_lowered:
.L_overlay_start_1:
0x0: {  	(tag) =	ssettag $0x1  }
0x1: {  	s0 =	rddreg [dreg:$0x0]  }
0x2: {  	s11 =	rddreg [dreg:$0x1]  }
0x3: {  	s2 =	rddreg [dreg:$0x2]  }
0x4: {  	s3 =	simm.s32 $0x0;
	s1 =	stileid.u32;
	s4 =	srdreg.scid  }
0x5: {  	s18 =	simm.s32 $0x7D;
	s19 =	simm.s32 $0x2800;
	s21 =	simm.s32 $0x6800  }
0x6: {  	s22 =	simm.s32 $0x1;
	s23 =	simm.s32 $0x2;
	s28 =	simm.s32 $0x0  }
0x7: {  	[smem:$0x7FF] =	sst s3;
	s12 =	smul.u32 $0x13800, s1;
	s8 =	sand.u32 $0x1, s4  }
0x8: {  	s5 =	sshll.u32 s1, $0x1;
	s4 =	sadd.s32 $0x33400, s0;
	s13 =	sadd.s32 $0x1A00, s0  }
0x9: {  	s7 =	smul.u32 $0x4E000, s1;
	s14 =	sadd.s32 $0x5A600, s0;
	p0 =	sne.s32 s1, $0xF  }
0xa: {  	s31 =	sshll.u32 s1, $0x6;
	_ =	strace $0x8000004A;
	s5 =	sor.u32 s8, s5  }
0xb: {  	s24 =	ssub.s32 $0x2, s8;
	s17 =	smul.u32 $0x138800, s8;
	s20 =	sor.u32 $0x1C03, s31  }
0xc: {  	s6 =	sshrl.u32 s12, $0x3;
	s5 =	smul.u32 $0x2800, s5;
	s10 =	sshrl.u32 s24, $0x1  }
0xd: {  	s7 =	sshrl.u32 s7, $0x2;
	s9 =	sadd.s32 s6, s0;
	s16 =	ssub.s32 s24, s10  }
0xe: {  	s7 =	sadd.s32 s7, s2;
	s10 =	sadd.s32 $0x33200, s0;
	s12 =	sadd.s32 s12, s17  }
0xf: {  	s29 =	sshrl.u32 s17, $0x3;
	s17 =	simm.s32 $0x1400;
	s24 =	simm.s32 $0x1380  }
0x10: {  	s15 =	sshrl.u32 s5, $0x3;
	s8 =	sadd.s32 $0xC200, s9;
	s9 =	sadd.s32 $0x138000, s2  }
0x11: {  	s30 =	sshrl.u32 s12, $0x3;
	s5 =	sadd.s32 s11, s15;
	s25 =	sadd.s32 s13, s15  }
0x12: {  	s26 =	sadd.s32 $0x280, s15;
	s15 =	sadd.s32 s14, s29;
	[dreg:$0x4] =	wrdreg s5  }
0x13: {  	[dreg:$0x5] =	wrdreg s25;
	s11 =	sadd.s32 s11, s26;
	s12 =	sadd.s32 s13, s26  }
0x14: {  	s13 =	sadd.s32 s14, s30;
	s14 =	sadd.s32 $0x27000, s15;
	s15 =	smax.u32 s16, $0x1  }
0x15: {  	s16 =	simm.s32 $0x3;
	s25 =	simm.s32 $0x2700;
	s26 =	simm.s32 $0x2780  }
.LBB2_1:
0x16: {  	s0 =	rddreg [dreg:$0x4]  }
0x17: {  	[tilespmem:s3], [sflag:$0x3] =	stream.linear.gather [hbm4b:s0+s3], $0x1400, $0x38;
	[tilespmem:$0x1E080] =	vst v63  }
0x18: {  	_ =	swait.ge [sflag:s16], $0x1400  }
0x19: {  	[sflag:s16] =	ssyncset.done $0x0  }
0x1a: {  	s5 =	rddreg [dreg:$0x5];
	[sflag:s16] =	ssyncadd.s32 $0xFFFFEC00  }
0x1b: {  	[tilespmem:s17], [sflag:$0x3] =	stream.linear.gather [hbm4b:s5+s3], $0x1400, $0x38;
	[tilespmem:$0x1E080] =	vst v63  }
0x1c: {  	_ =	swait.ge [sflag:s16], $0x1400  }
0x1d: {  	[sflag:s16] =	ssyncset.done $0x0  }
0x1e: {  	s29 =	sshrl.u32 s7, $0x3;
	[sflag:s16] =	ssyncadd.s32 $0xFFFFEC00  }
0x1f: {  	[tilespmem:s19], [sflag:$0x1] =	stream.indirect.gather [hbm4b:s4+s18], $0x80, s3, s18, $0xb8;
	[tilespmem:$0x1E080] =	vst v63  }
0x20: {  	[spmem:s29], [sflag:s20] =	dma.local [hbm:s8], $0x2700  }
0x21: {  	_ =	swait.ge [sflag:s16], $0x2700  }
0x22: {  	[sflag:s16] =	ssyncset.done $0x0  }
0x23: {  	s30 =	sshrl.u32 @!p0 s9, $0x3;
	s0 =	simm.s32 @!p0 $0x3;
	[sflag:s16] =	ssyncadd.s32 $0xFFFFD900  }
0x24: {  	[spmem:s30], [sflag:s20] =	dma.local @!p0 [hbm:s10], $0x100  }
0x25: {  	_ =	swait.ge @!p0 [sflag:s0], $0x100  }
0x26: {  	[sflag:s0] =	ssyncset.done @!p0 $0x0  }
0x27: {  	[sflag:s0] =	ssyncadd.s32 @!p0 $0xFFFFFF00  }
0x28: {  	s6 =	simm.s32 $0x80;
	[bflag:$0x0] =	sbarrier.arrive $0xFFFF  }
0x29: {  	[tilespmem:s21], [sflag:$0x2] =	stream.indirect.gather [hbm4b:s4+s18], $0x80, s6, s18, $0xb8;
	[tilespmem:$0x1E080] =	vst v63  }
0x2a: {  	_ =	swait.ge [sflag:s22], $0x3E80  }
0x2b: {  	[sflag:s22] =	ssyncset.done $0x0  }
0x2c: {  	s1 =	simm.s32 $0x1400;
	[sflag:s22] =	ssyncadd.s32 $0xFFFFC180  }
0x2d: {  	[spmem:s2] =	stream.indirect.scatter.add.f32 [tilespmem:s19], [sflag:$0x3], $0x80, s1, s18, $0xb8;
	[tilespmem:$0x1E080] =	vst v63  }
0x2e: {  	_ =	swait.ge [sflag:s16], $0x3E80  }
0x2f: {  	[sflag:s16] =	ssyncset.done $0x0  }
0x30: {  	s5 =	simm.s32 $0x100;
	[sflag:s16] =	ssyncadd.s32 $0xFFFFC180  }
0x31: {  	[tilespmem:s19], [sflag:$0x1] =	stream.indirect.gather [hbm4b:s4+s18], $0x80, s5, s18, $0xb8;
	[tilespmem:$0x1E080] =	vst v63  }
0x32: {  	_ =	swait.ge [sflag:s23], $0x3E80  }
0x33: {  	[sflag:s23] =	ssyncset.done $0x0  }
0x34: {  	s6 =	simm.s32 $0x1480;
	[sflag:s23] =	ssyncadd.s32 $0xFFFFC180  }
0x35: {  	[spmem:s2] =	stream.indirect.scatter.add.f32 [tilespmem:s21], [sflag:$0x3], $0x80, s6, s18, $0xb8;
	[tilespmem:$0x1E080] =	vst v63  }
0x36: {  	_ =	swait.ge [sflag:s16], $0x3E80  }
0x37: {  	s31 =	simm.s32 $0x100;
	s0 =	simm.s32 $0x800;
	[sflag:s16] =	ssyncset.done $0x0  }
.LBB2_2:
0x38: {  	s1 =	sadd.s32 $0x80, s31  }
0x39: {  	[sflag:s16] =	ssyncadd.s32 $0xFFFFC180;
	s5 =	smov.u32 s0;
	s6 =	sadd.s32 $0x400, s0  }
0x3a: {  	[tilespmem:s21], [sflag:$0x2] =	stream.indirect.gather [hbm4b:s4+s18], $0x80, s1, s18, $0xb8;
	[tilespmem:$0x1E080] =	vst v63  }
0x3b: {  	p1 =	sne.s32 s0, $0x4800;
	_ =	swait.ge [sflag:s22], $0x3E80  }
0x3c: {  	[sflag:s22] =	ssyncset.done $0x0  }
0x3d: {  	s0 =	sadd.s32 $0x1400, s31;
	[sflag:s22] =	ssyncadd.s32 $0xFFFFC180  }
0x3e: {  	[spmem:s2] =	stream.indirect.scatter.add.f32 [tilespmem:s19], [sflag:$0x3], $0x80, s0, s18, $0xb8;
	[tilespmem:$0x1E080] =	vst v63  }
0x3f: {  	_ =	swait.ge [sflag:s16], $0x3E80  }
0x40: {  	[sflag:s16] =	ssyncset.done $0x0  }
0x41: {  	s0 =	sadd.s32 $0x100, s31;
	[sflag:s16] =	ssyncadd.s32 $0xFFFFC180  }
0x42: {  	[tilespmem:s19], [sflag:$0x1] =	stream.indirect.gather [hbm4b:s4+s18], $0x80, s0, s18, $0xb8;
	[tilespmem:$0x1E080] =	vst v63  }
0x43: {  	_ =	swait.ge [sflag:s23], $0x3E80  }
.Ltmp0:
0x44: {  	[sflag:s23] =	ssyncset.done $0x0;
	(pc) =	sbr.rel @p1 .LBB2_2-.Ltmp0, $4  }
0x45: {  	s0 =	sadd.s32 $0x1480, s31;
	[sflag:s23] =	ssyncadd.s32 $0xFFFFC180  }
0x46: {  	[spmem:s2] =	stream.indirect.scatter.add.f32 [tilespmem:s21], [sflag:$0x3], $0x80, s0, s18, $0xb8;
	[tilespmem:$0x1E080] =	vst v63  }
0x47: {  	_ =	swait.ge [sflag:s16], $0x3E80  }
0x48: {  	s31 =	sshra.s32 s5, $0x2;
	s0 =	smov.u32 s6;
	[sflag:s16] =	ssyncset.done $0x0  }
0x49: {  	s0 =	sadd.s32 $0x80, s31;
	[sflag:s16] =	ssyncadd.s32 $0xFFFFC180  }
0x4a: {  	[tilespmem:s21], [sflag:$0x2] =	stream.indirect.gather [hbm4b:s4+s18], $0x80, s0, s18, $0xb8;
	[tilespmem:$0x1E080] =	vst v63  }
0x4b: {  	_ =	swait.ge [sflag:s22], $0x3E80  }
0x4c: {  	[sflag:s22] =	ssyncset.done $0x0  }
0x4d: {  	s5 =	sadd.s32 $0x1400, s31;
	[sflag:s22] =	ssyncadd.s32 $0xFFFFC180  }
0x4e: {  	[spmem:s2] =	stream.indirect.scatter.add.f32 [tilespmem:s19], [sflag:$0x3], $0x80, s5, s18, $0xb8;
	[tilespmem:$0x1E080] =	vst v63  }
0x4f: {  	_ =	swait.ge [sflag:s16], $0x3E80  }
0x50: {  	[sflag:s16] =	ssyncset.done $0x0  }
0x51: {  	s6 =	sadd.s32 $0x100, s31;
	[sflag:s16] =	ssyncadd.s32 $0xFFFFC180  }
0x52: {  	[tilespmem:s19], [sflag:$0x1] =	stream.indirect.gather [hbm4b:s4+s18], $0x80, s6, s18, $0xb8;
	[tilespmem:$0x1E080] =	vst v63  }
0x53: {  	_ =	swait.ge [sflag:s23], $0x3E80  }
0x54: {  	[sflag:s23] =	ssyncset.done $0x0  }
0x55: {  	s1 =	sadd.s32 $0x1480, s31;
	[sflag:s23] =	ssyncadd.s32 $0xFFFFC180  }
0x56: {  	[spmem:s2] =	stream.indirect.scatter.add.f32 [tilespmem:s21], [sflag:$0x3], $0x80, s1, s18, $0xb8;
	[tilespmem:$0x1E080] =	vst v63  }
0x57: {  	_ =	swait.ge [sflag:s16], $0x3E80  }
0x58: {  	[sflag:s16] =	ssyncset.done $0x0  }
0x59: {  	[sflag:s16] =	ssyncadd.s32 $0xFFFFC180  }
0x5a: {  	[tilespmem:s21], [sflag:$0x2] =	stream.indirect.gather [hbm4b:s4+s18], $0x80, s24, s18, $0xb8;
	[tilespmem:$0x1E080] =	vst v63  }
0x5b: {  	_ =	swait.ge [sflag:s22], $0x3E80  }
0x5c: {  	[sflag:s22] =	ssyncset.done $0x0  }
0x5d: {  	[sflag:s22] =	ssyncadd.s32 $0xFFFFC180  }
0x5e: {  	[spmem:s2] =	stream.indirect.scatter.add.f32 [tilespmem:s19], [sflag:$0x3], $0x80, s25, s18, $0xb8;
	[tilespmem:$0x1E080] =	vst v63  }
0x5f: {  	_ =	swait.ge [sflag:s16], $0x3E80  }
0x60: {  	[sflag:s16] =	ssyncset.done $0x0  }
0x61: {  	[sflag:s16] =	ssyncadd.s32 $0xFFFFC180  }
0x62: {  	_ =	swait.ge [sflag:s23], $0x3E80  }
0x63: {  	[sflag:s23] =	ssyncset.done $0x0  }
0x64: {  	[sflag:s23] =	ssyncadd.s32 $0xFFFFC180  }
0x65: {  	[spmem:s2] =	stream.indirect.scatter.add.f32 [tilespmem:s21], [sflag:$0x3], $0x80, s26, s18, $0xb8;
	[tilespmem:$0x1E080] =	vst v63  }
0x66: {  	_ =	swait.ge [sflag:s16], $0x3E80  }
0x67: {  	[sflag:s16] =	ssyncset.done $0x0  }
0x68: {  	s5 =	simm.s32 $0x0;
	[sflag:s16] =	ssyncadd.s32 $0xFFFFC180  }
0x69: {  	[tilespmem:s5], [sflag:$0x3] =	stream.linear.gather [hbm4b:s11+s5], $0x1400, $0x38;
	[tilespmem:$0x1E080] =	vst v63  }
0x6a: {  	_ =	swait.ge [sflag:s16], $0x1400  }
0x6b: {  	[sflag:s16] =	ssyncset.done $0x0  }
0x6c: {  	[sflag:s16] =	ssyncadd.s32 $0xFFFFEC00  }
0x6d: {  	[tilespmem:s17], [sflag:$0x3] =	stream.linear.gather [hbm4b:s12+s5], $0x1400, $0x38;
	[tilespmem:$0x1E080] =	vst v63  }
0x6e: {  	_ =	swait.ge [sflag:s16], $0x1400  }
0x6f: {  	[sflag:s16] =	ssyncset.done $0x0  }
0x70: {  	[sflag:s16] =	ssyncadd.s32 $0xFFFFEC00  }
0x71: {  	[tilespmem:s19], [sflag:$0x1] =	stream.indirect.gather [hbm4b:s4+s18], $0x80, s5, s18, $0xb8;
	[tilespmem:$0x1E080] =	vst v63  }
0x72: {  	s6 =	simm.s32 $0x80  }
0x73: {  	[tilespmem:s21], [sflag:$0x2] =	stream.indirect.gather [hbm4b:s4+s18], $0x80, s6, s18, $0xb8;
	[tilespmem:$0x1E080] =	vst v63  }
0x74: {  	_ =	swait.ge [sflag:s22], $0x3E80  }
0x75: {  	[sflag:s22] =	ssyncset.done $0x0  }
0x76: {  	s1 =	simm.s32 $0x1400;
	[sflag:s22] =	ssyncadd.s32 $0xFFFFC180  }
0x77: {  	[spmem:s2] =	stream.indirect.scatter.add.f32 [tilespmem:s19], [sflag:$0x3], $0x80, s1, s18, $0xb8;
	[tilespmem:$0x1E080] =	vst v63  }
0x78: {  	_ =	swait.ge [sflag:s16], $0x3E80  }
0x79: {  	[sflag:s16] =	ssyncset.done $0x0  }
0x7a: {  	s5 =	simm.s32 $0x100;
	[sflag:s16] =	ssyncadd.s32 $0xFFFFC180  }
0x7b: {  	[tilespmem:s19], [sflag:$0x1] =	stream.indirect.gather [hbm4b:s4+s18], $0x80, s5, s18, $0xb8;
	[tilespmem:$0x1E080] =	vst v63  }
0x7c: {  	_ =	swait.ge [sflag:s23], $0x3E80  }
0x7d: {  	[sflag:s23] =	ssyncset.done $0x0  }
0x7e: {  	s6 =	simm.s32 $0x1480;
	[sflag:s23] =	ssyncadd.s32 $0xFFFFC180  }
0x7f: {  	[spmem:s2] =	stream.indirect.scatter.add.f32 [tilespmem:s21], [sflag:$0x3], $0x80, s6, s18, $0xb8;
	[tilespmem:$0x1E080] =	vst v63  }
0x80: {  	_ =	swait.ge [sflag:s16], $0x3E80  }
0x81: {  	s31 =	simm.s32 $0x100;
	s0 =	simm.s32 $0x800;
	[sflag:s16] =	ssyncset.done $0x0  }
.LBB2_4:
0x82: {  	s1 =	sadd.s32 $0x80, s31  }
0x83: {  	[sflag:s16] =	ssyncadd.s32 $0xFFFFC180;
	s5 =	smov.u32 s0;
	s6 =	sadd.s32 $0x400, s0  }
0x84: {  	[tilespmem:s21], [sflag:$0x2] =	stream.indirect.gather [hbm4b:s4+s18], $0x80, s1, s18, $0xb8;
	[tilespmem:$0x1E080] =	vst v63  }
0x85: {  	p1 =	sne.s32 s0, $0x4800;
	_ =	swait.ge [sflag:s22], $0x3E80  }
0x86: {  	[sflag:s22] =	ssyncset.done $0x0  }
0x87: {  	s0 =	sadd.s32 $0x1400, s31;
	[sflag:s22] =	ssyncadd.s32 $0xFFFFC180  }
0x88: {  	[spmem:s2] =	stream.indirect.scatter.add.f32 [tilespmem:s19], [sflag:$0x3], $0x80, s0, s18, $0xb8;
	[tilespmem:$0x1E080] =	vst v63  }
0x89: {  	_ =	swait.ge [sflag:s16], $0x3E80  }
0x8a: {  	[sflag:s16] =	ssyncset.done $0x0  }
0x8b: {  	s0 =	sadd.s32 $0x100, s31;
	[sflag:s16] =	ssyncadd.s32 $0xFFFFC180  }
0x8c: {  	[tilespmem:s19], [sflag:$0x1] =	stream.indirect.gather [hbm4b:s4+s18], $0x80, s0, s18, $0xb8;
	[tilespmem:$0x1E080] =	vst v63  }
0x8d: {  	_ =	swait.ge [sflag:s23], $0x3E80  }
.Ltmp1:
0x8e: {  	[sflag:s23] =	ssyncset.done $0x0;
	(pc) =	sbr.rel @p1 .LBB2_4-.Ltmp1, $4  }
0x8f: {  	s0 =	sadd.s32 $0x1480, s31;
	[sflag:s23] =	ssyncadd.s32 $0xFFFFC180  }
0x90: {  	[spmem:s2] =	stream.indirect.scatter.add.f32 [tilespmem:s21], [sflag:$0x3], $0x80, s0, s18, $0xb8;
	[tilespmem:$0x1E080] =	vst v63  }
0x91: {  	_ =	swait.ge [sflag:s16], $0x3E80  }
0x92: {  	s31 =	sshra.s32 s5, $0x2;
	s0 =	smov.u32 s6;
	[sflag:s16] =	ssyncset.done $0x0  }
0x93: {  	s0 =	sadd.s32 $0x80, s31;
	[sflag:s16] =	ssyncadd.s32 $0xFFFFC180  }
0x94: {  	[tilespmem:s21], [sflag:$0x2] =	stream.indirect.gather [hbm4b:s4+s18], $0x80, s0, s18, $0xb8;
	[tilespmem:$0x1E080] =	vst v63  }
0x95: {  	_ =	swait.ge [sflag:s22], $0x3E80  }
0x96: {  	[sflag:s22] =	ssyncset.done $0x0  }
0x97: {  	s5 =	sadd.s32 $0x1400, s31;
	[sflag:s22] =	ssyncadd.s32 $0xFFFFC180  }
0x98: {  	[spmem:s2] =	stream.indirect.scatter.add.f32 [tilespmem:s19], [sflag:$0x3], $0x80, s5, s18, $0xb8;
	[tilespmem:$0x1E080] =	vst v63  }
0x99: {  	_ =	swait.ge [sflag:s16], $0x3E80  }
0x9a: {  	[sflag:s16] =	ssyncset.done $0x0  }
0x9b: {  	s6 =	sadd.s32 $0x100, s31;
	[sflag:s16] =	ssyncadd.s32 $0xFFFFC180  }
0x9c: {  	[tilespmem:s19], [sflag:$0x1] =	stream.indirect.gather [hbm4b:s4+s18], $0x80, s6, s18, $0xb8;
	[tilespmem:$0x1E080] =	vst v63  }
0x9d: {  	_ =	swait.ge [sflag:s23], $0x3E80  }
0x9e: {  	[sflag:s23] =	ssyncset.done $0x0  }
0x9f: {  	s31 =	sadd.s32 $0x1480, s31;
	[sflag:s23] =	ssyncadd.s32 $0xFFFFC180  }
0xa0: {  	[spmem:s2] =	stream.indirect.scatter.add.f32 [tilespmem:s21], [sflag:$0x3], $0x80, s31, s18, $0xb8;
	[tilespmem:$0x1E080] =	vst v63  }
0xa1: {  	_ =	swait.ge [sflag:s16], $0x3E80  }
0xa2: {  	[sflag:s16] =	ssyncset.done $0x0  }
0xa3: {  	[sflag:s16] =	ssyncadd.s32 $0xFFFFC180  }
0xa4: {  	[tilespmem:s21], [sflag:$0x2] =	stream.indirect.gather [hbm4b:s4+s18], $0x80, s24, s18, $0xb8;
	[tilespmem:$0x1E080] =	vst v63  }
0xa5: {  	_ =	swait.ge [sflag:s22], $0x3E80  }
0xa6: {  	[sflag:s22] =	ssyncset.done $0x0  }
0xa7: {  	[sflag:s22] =	ssyncadd.s32 $0xFFFFC180  }
0xa8: {  	[spmem:s2] =	stream.indirect.scatter.add.f32 [tilespmem:s19], [sflag:$0x3], $0x80, s25, s18, $0xb8;
	[tilespmem:$0x1E080] =	vst v63  }
0xa9: {  	_ =	swait.ge [sflag:s16], $0x3E80  }
0xaa: {  	[sflag:s16] =	ssyncset.done $0x0  }
0xab: {  	[sflag:s16] =	ssyncadd.s32 $0xFFFFC180  }
0xac: {  	_ =	swait.ge [sflag:s23], $0x3E80  }
0xad: {  	[sflag:s23] =	ssyncset.done $0x0  }
0xae: {  	[sflag:s23] =	ssyncadd.s32 $0xFFFFC180  }
0xaf: {  	[spmem:s2] =	stream.indirect.scatter.add.f32 [tilespmem:s21], [sflag:$0x3], $0x80, s26, s18, $0xb8;
	[tilespmem:$0x1E080] =	vst v63  }
0xb0: {  	_ =	swait.ge [sflag:s16], $0x3E80  }
0xb1: {  	[sflag:s16] =	ssyncset.done $0x0  }
0xb2: {  	[sflag:s16] =	ssyncadd.s32 $0xFFFFC180  }
0xb3: {  	[bflag:$0x0] =	sbarrier.arrive $0xFFFF  }
0xb4: {  	[hbm:s13], [sflag:s20] =	dma.local [spmem:s29], $0x2700  }
0xb5: {  	s28 =	sadd.s32 $0x1, s28;
	_ =	swait.ge [sflag:s16], $0x2700  }
0xb6: {  	p1 =	sne.s32 s28, s15;
	[sflag:s16] =	ssyncset.done $0x0  }
.Ltmp2:
0xb7: {  	s0 =	simm.s32 @!p0 $0x3;
	[sflag:s16] =	ssyncadd.s32 $0xFFFFD900;
	(pc) =	sbr.rel @p1 .LBB2_1-.Ltmp2, $4  }
0xb8: {  	[hbm:s14], [sflag:s20] =	dma.local @!p0 [spmem:s30], $0x100  }
0xb9: {  	_ =	swait.ge @!p0 [sflag:s0], $0x100  }
0xba: {  	[sflag:s0] =	ssyncset.done @!p0 $0x0  }
0xbb: {  	[sflag:s0] =	ssyncadd.s32 @!p0 $0xFFFFFF00  }
0xbc: {  	_ =	sfence.sel $0x180000  }
0xbd: {  	[bflag:$0x0] =	sbarrier.arrive $0xFFFF  }
0xbe: {  	_ =	strace $0x9000004A  }
0xbf: {  	s0 =	stileid.u32;
	[bflag:$0x2] =	sbarrier.arrive $0xFFFF  }
0xc0: {  	p0 =	sne.s32 s0, $0x0;
	s0 =	rddreg [dreg:$0x3]  }
0xc1: {  	s0 =	sadd.s32 @!p0 $0x100000, s0  }
0xc2: {  	[sflag:s0] =	ssyncadd.tile.s32 @!p0 $0x1;
	_ =	shalt  }
.Lfunc_end2:
_tile_overlayer_lowered:
.L_overlay_start_2:
0xc3: {  	(tag) =	ssettag $0x2  }
0xc4: {  	s0 =	rddreg [dreg:$0x0];
	s2 =	stileid.u32  }
0xc5: {  	s1 =	rddreg [dreg:$0x1];
	p0 =	sne.s32 s2, $0x0  }
0xc6: {  	s3 =	rddreg [dreg:$0x2];
	[bflag:$0x3] =	sbarrier.arrive $0xFFFF;
	s2 =	simm.s32 @!p0 $0x1C03  }
0xc7: {  	[timem:s3], [sflag:s2] =	dma.local @!p0 [hbm:s0], s1  }
0xc8: {  	s0 =	simm.s32 @!p0 $0x3  }
0xc9: {  	_ =	swait.ge @!p0 [sflag:s0], s1  }
0xca: {  	s1 =	ssub.s32 @!p0 $0x0, s1;
	[sflag:s0] =	ssyncset.done @!p0 $0x0  }
0xcb: {  	[sflag:s0] =	ssyncadd.s32 @!p0 s1  }
0xcc: {  	[bflag:$0x3] =	sbarrier.arrive $0xFFFF  }
0xcd: {  	_ =	shalt  }

</sc_bundles>
